<compile_context>
chip_gen: v7x
topology: tpu7x:2x2x1
jax: 0.10.2.dev20260603
libtpu: 0.0.44.dev20260713+nightly
codegen_flags: <defaults>
</compile_context>

<pallas_src>
import jax
import jax.numpy as jnp
from jax import lax
from jax.experimental import pallas as pl
from jax.experimental.pallas import tpu as pltpu
from jax.experimental.pallas import tpu_sc as plsc

B, L, C, H, K = 2, 2048, 1024, 16, 64
HALF_S = 16
S = 2 * HALF_S + 1
MAX_FREQ = 16.0
MIN_FREQ = 1.0
MAX_RECEPTIVE = HALF_S * MAX_FREQ
D = C // H

TB = 256
NBLK = L // TB
WIN = TB + 2 * 256 + 1
NLANE = 16


def _silu(v):
    return v * jax.nn.sigmoid(v)



def _proj_body(x_ref, ww_ref, bw_ref, wk_ref, bk_ref, fp_ref, tap_ref):
    xb = x_ref[0].astype(jnp.bfloat16)
    wave = jnp.dot(xb, ww_ref[...], preferred_element_type=jnp.float32) \
        + bw_ref[...]
    wave = _silu(wave)
    freq = jax.nn.sigmoid(wave[:, :H]) * (MAX_FREQ - MIN_FREQ) + MIN_FREQ
    phase = jnp.tanh(wave[:, H:]) * MAX_FREQ
    fp_ref[0, :, :H] = freq
    fp_ref[0, :, H:] = phase
    t = jnp.dot(xb, wk_ref[...], preferred_element_type=jnp.float32) \
        + bk_ref[...]
    tap_ref[0] = _silu(t)


def _stage_a(x, ww_t, bw, wk_t, bk):
    TA = 512
    grid = (B, L // TA)
    return pl.pallas_call(
        _proj_body,
        grid=grid,
        in_specs=[
            pl.BlockSpec((1, TA, C), lambda b, i: (b, i, 0)),
            pl.BlockSpec((C, 2 * H), lambda b, i: (0, 0)),
            pl.BlockSpec((1, 2 * H), lambda b, i: (0, 0)),
            pl.BlockSpec((C, S * H), lambda b, i: (0, 0)),
            pl.BlockSpec((1, S * H), lambda b, i: (0, 0)),
        ],
        out_specs=[
            pl.BlockSpec((1, TA, 2 * H), lambda b, i: (b, i, 0)),
            pl.BlockSpec((1, TA, S * H), lambda b, i: (b, i, 0)),
        ],
        out_shape=[
            jax.ShapeDtypeStruct((B, L, 2 * H), jnp.float32),
            jax.ShapeDtypeStruct((B, L, S * H), jnp.float32),
        ],
    )(x, ww_t, bw, wk_t, bk)



def _sc_body(x_ref, fr_ref, ph_ref, tap_ref, hid_ref,
             win_a, win_b, tap_v, fr_v, ph_v, acc_v, idx_v, wgt_v,
             sem_a, sem_b, sem_o):
    cid = lax.axis_index("c")
    sid = lax.axis_index("s")
    wid = sid * 2 + cid
    b = wid // H
    h = wid % H

    def win_copy(blk, dst, sem):
        base = jnp.clip(blk * TB - 256, 0, L - WIN)
        return pltpu.make_async_copy(
            x_ref.at[b, h, pl.ds(base * D, WIN * D)], dst, sem)

    win_copy(0, win_a, sem_a).start()

    def compute_block(blk, win_v, sem):
        l0 = blk * TB
        base = jnp.clip(l0 - 256, 0, L - WIN)
        pltpu.sync_copy(tap_ref.at[b, h, blk], tap_v)
        pltpu.sync_copy(fr_ref.at[b, h, pl.ds(l0, TB)], fr_v)
        pltpu.sync_copy(ph_ref.at[b, h, pl.ds(l0, TB)], ph_v)
        win_copy(blk, win_v, sem).wait()

        @pl.when(blk > 0)
        def _():
            pltpu.make_async_copy(
                acc_v, hid_ref.at[b, h, blk - 1], sem_o).wait()

        @pl.loop(0, TB, step=NLANE)
        def _lc(lt):
            fr = fr_v[pl.ds(lt, NLANE)]
            ph = ph_v[pl.ds(lt, NLANE)]
            lpos = (l0 + lt + lax.iota(jnp.int32, NLANE)).astype(jnp.float32)

            @plsc.parallel_loop(0, S)
            def _stage(s):
                tap = tap_v[pl.ds(s * TB + lt, NLANE)]
                off = (s - HALF_S).astype(jnp.float32) * fr + ph
                off = jnp.clip(off, -MAX_RECEPTIVE, MAX_RECEPTIVE)
                pf = lpos + off
                ti = pf.astype(jnp.int32)
                tf = ti.astype(jnp.float32)
                p0 = jnp.where(tf > pf, ti - 1, ti)
                w1 = pf - p0.astype(jnp.float32)
                p0c = jnp.clip(p0, 0, L - 1)
                idx_v[pl.ds(s * NLANE, NLANE)] = (p0c - base) * D
                wg1 = tap * w1
                wgt_v[pl.ds(s * NLANE, NLANE)] = tap - wg1
                wgt_v[pl.ds((S + s) * NLANE, NLANE)] = wg1

            koffs = [lax.iota(jnp.int32, NLANE) + k * NLANE
                     for k in range(D // NLANE)]
            imax = jnp.full((NLANE,), (L - 1 - base) * D, jnp.int32)

            @pl.loop(0, NLANE)
            def _tok(j):
                zero = jnp.zeros((NLANE,), jnp.float32)

                @plsc.parallel_loop(0, S, carry=(zero,) * (D // NLANE), unroll=3)
                def _acc(s, accs):
                    sl = s * NLANE + j
                    slv = jnp.full((NLANE,), sl, jnp.int32)
                    i0b = plsc.load_gather(idx_v, [slv])
                    i1b = jnp.minimum(i0b + D, imax)
                    w0b = plsc.load_gather(wgt_v, [slv])
                    w1b = plsc.load_gather(wgt_v, [slv + S * NLANE])
                    out = []
                    for k in range(D // NLANE):
                        g0 = plsc.load_gather(win_v, [i0b + koffs[k]])
                        g1 = plsc.load_gather(win_v, [i1b + koffs[k]])
                        out.append(accs[k] + (w0b * g0 + w1b * g1))
                    return tuple(out)

                for k in range(D // NLANE):
                    acc_v[lt + j, pl.ds(k * NLANE, NLANE)] = _acc[k]

        pltpu.make_async_copy(acc_v, hid_ref.at[b, h, blk], sem_o).start()

    @pl.loop(0, NBLK, step=2)
    def _blk2(g):
        win_copy(g + 1, win_b, sem_b).start()
        compute_block(g, win_a, sem_a)

        @pl.when(g + 2 < NBLK)
        def _():
            win_copy(g + 2, win_a, sem_a).start()

        compute_block(g + 1, win_b, sem_b)

    pltpu.make_async_copy(acc_v, hid_ref.at[b, h, NBLK - 1], sem_o).wait()


def _stage_b(x_t, freq_t, phase_t, taps_t):
    mesh = plsc.VectorSubcoreMesh(core_axis_name="c", subcore_axis_name="s")
    f = pl.kernel(
        _sc_body,
        out_type=jax.ShapeDtypeStruct((B, H, NBLK, TB, D), jnp.float32),
        mesh=mesh,
        compiler_params=pltpu.CompilerParams(use_tc_tiling_on_sc=False,
                                             needs_layout_passes=False),
        scratch_types=[
            pltpu.VMEM((WIN * D,), jnp.float32),
            pltpu.VMEM((WIN * D,), jnp.float32),
            pltpu.VMEM((S * TB,), jnp.float32),
            pltpu.VMEM((TB,), jnp.float32),
            pltpu.VMEM((TB,), jnp.float32),
            pltpu.VMEM((TB, D), jnp.float32),
            pltpu.VMEM((S * NLANE,), jnp.int32),
            pltpu.VMEM((2 * S * NLANE,), jnp.float32),
            pltpu.SemaphoreType.DMA,
            pltpu.SemaphoreType.DMA,
            pltpu.SemaphoreType.DMA,
        ],
    )
    return f(x_t, freq_t, phase_t, taps_t)



def _out_proj_body(h_ref, w_ref, o_ref):
    acc = jnp.dot(h_ref[...].astype(jnp.bfloat16), w_ref[...],
                  preferred_element_type=jnp.float32)
    o_ref[...] = acc * jax.nn.sigmoid(acc)


def _out_proj(hidden_flat, w_t):
    TC_ = 512
    grid = (hidden_flat.shape[0] // TC_,)
    return pl.pallas_call(
        _out_proj_body,
        grid=grid,
        in_specs=[
            pl.BlockSpec((TC_, C), lambda i: (i, 0)),
            pl.BlockSpec((C, C), lambda i: (0, 0)),
        ],
        out_specs=pl.BlockSpec((TC_, C), lambda i: (i, 0)),
        out_shape=jax.ShapeDtypeStruct((hidden_flat.shape[0], C), jnp.float32),
    )(hidden_flat, w_t)



def kernel(x, W_wave, b_wave, W_kernel, b_kernel, W_out):
    wk33 = (W_kernel.reshape(H, K, C)[:, :S, :]
            .transpose(1, 0, 2).reshape(S * H, C))
    bk33 = b_kernel.reshape(H, K)[:, :S].T.reshape(1, S * H)
    fp, taps = _stage_a(x, W_wave.T.astype(jnp.bfloat16),
                        b_wave.reshape(1, 2 * H),
                        wk33.T.astype(jnp.bfloat16), bk33)

    freq_t = fp[:, :, :H].transpose(0, 2, 1)
    phase_t = fp[:, :, H:].transpose(0, 2, 1)
    taps_t = (taps.reshape(B, NBLK, TB, S, H)
              .transpose(0, 4, 1, 3, 2).reshape(B, H, NBLK, S * TB))
    x_t = x.reshape(B, L, H, D).transpose(0, 2, 1, 3).reshape(B, H, L * D)

    hid = _stage_b(x_t, freq_t, phase_t, taps_t)

    hidden = hid.transpose(0, 2, 3, 1, 4).reshape(B * L, C)
    out = _out_proj(hidden, W_out.T.astype(jnp.bfloat16))
    return out.reshape(B, L, C)

# --- scband reference (transcript-rebuilt; emitter-appended) ---
"""Pipeline reference for scband-triton-gather-conv-80221399155593 (READ-ONLY COPY).

The authoritative reference and input builder live on the scoring server;
editing this copy changes nothing except your own understanding.
"""

import jax, jax.numpy as jnp
import numpy as np

B, L, C, H, K = 2, 2048, 1024, 16, 64
half_s = 16
S = 2 * half_s + 1
max_freq = 16.0
min_freq = 1.0
max_receptive = half_s * max_freq


def silu(v):
    return v * jax.nn.sigmoid(v)


def setup_inputs(seed=0) -> dict:
    key = jax.random.key(seed)
    ks = jax.random.split(key, 6)
    x = jax.random.normal(ks[0], (B, L, C), dtype=jnp.float32)
    # torch Linear convention: weight shape (out_features, in_features)
    W_wave = jax.random.normal(ks[1], (2 * H, C), dtype=jnp.float32) * 0.02
    b_wave = jnp.zeros((2 * H,), dtype=jnp.float32)
    W_kernel = jax.random.normal(ks[2], (H * K, C), dtype=jnp.float32) * 0.02
    b_kernel = jnp.zeros((H * K,), dtype=jnp.float32)
    W_out = jax.random.normal(ks[3], (C, C), dtype=jnp.float32) * 0.02
    return {"x": x, "W_wave": W_wave, "b_wave": b_wave, "W_kernel": W_kernel, "b_kernel": b_kernel, "W_out": W_out}


def reference(x, W_wave, b_wave, W_kernel, b_kernel, W_out):
    Bs, Ls, Cs = x.shape
    D = Cs // H
    wave = silu(x @ W_wave.T + b_wave).reshape(Bs, Ls, 2, H)
    freq = jax.nn.sigmoid(wave[:, :, 0, :]) * (max_freq - min_freq) + min_freq  # (B,L,H)
    phase = jnp.tanh(wave[:, :, 1, :]) * max_freq  # (B,L,H)
    kernel = silu(x @ W_kernel.T + b_kernel).reshape(Bs, Ls, H, K)
    xh = x.reshape(Bs, Ls, H, D)
    b_idx = jnp.arange(Bs)[:, None, None]
    h_idx = jnp.arange(H)[None, None, :]
    l_pos = jnp.arange(Ls, dtype=jnp.float32)[None, :, None]
    hidden = jnp.zeros((Bs, Ls, H, D), dtype=jnp.float32)
    # gather-conv: per head, sample S positions spaced by learned per-token freq with
    # learned phase offset; linear interpolation between integer positions; weight each
    # sample by the s-th learned kernel tap (S <= K).
    for s in range(S):
        off = (s - half_s) * freq + phase
        off = jnp.clip(off, -max_receptive, max_receptive)
        pf = l_pos + off
        p0 = jnp.floor(pf)
        w1 = pf - p0
        p0i = jnp.clip(p0.astype(jnp.int32), 0, Ls - 1)
        p1i = jnp.clip(p0i + 1, 0, Ls - 1)
        g0 = xh[b_idx, p0i, h_idx, :]  # (B,L,H,D) gather
        g1 = xh[b_idx, p1i, h_idx, :]
        g = (1.0 - w1)[..., None] * g0 + w1[..., None] * g1
        hidden = hidden + kernel[:, :, :, s][..., None] * g
    hidden = hidden.reshape(Bs, Ls, Cs)
    out = silu(hidden @ W_out.T)
    return out

if __name__ == "__main__":
    import jax
    _d = setup_inputs()
    print(jax.jit(kernel)(*tuple(_d.values())))

</pallas_src>

<mosaic_0001>
#map = affine_map<(d0, d1) -> (0, 0, 0)>
#map1 = affine_map<(d0, d1) -> (0, 0, 0, 0)>
#map2 = affine_map<(d0, d1) -> (0, 0, 0, 0, 0)>
module attributes {stable_mosaic.version = 14 : i64} {
  func.func @_sc_body(%arg0: i32, %arg1: i32, %arg2: memref<2x16x131072xf32, #tpu.memory_space<hbm>>, %arg3: memref<2x16x2048xf32, #tpu.memory_space<hbm>>, %arg4: memref<2x16x2048xf32, #tpu.memory_space<hbm>>, %arg5: memref<2x16x8x8448xf32, #tpu.memory_space<hbm>>, %arg6: memref<2x16x8x256x64xf32, #tpu.memory_space<hbm>>, %arg7: memref<49216xf32, #tpu.memory_space<vmem>>, %arg8: memref<49216xf32, #tpu.memory_space<vmem>>, %arg9: memref<8448xf32, #tpu.memory_space<vmem>>, %arg10: memref<256xf32, #tpu.memory_space<vmem>>, %arg11: memref<256xf32, #tpu.memory_space<vmem>>, %arg12: memref<256x64xf32, #tpu.memory_space<vmem>>, %arg13: memref<528xi32, #tpu.memory_space<vmem>>, %arg14: memref<1056xf32, #tpu.memory_space<vmem>>, %arg15: memref<!tpu.dma_semaphore, #tpu.memory_space<semaphore_mem>>, %arg16: memref<!tpu.dma_semaphore, #tpu.memory_space<semaphore_mem>>, %arg17: memref<!tpu.dma_semaphore, #tpu.memory_space<semaphore_mem>>) attributes {dimension_semantics = [#tpu.dimension_semantics<core_parallel>, #tpu.dimension_semantics<subcore_parallel>], iteration_bounds = array<i64: 2, 16>, scalar_prefetch = 0 : i64, scratch_operands = 11 : i64, tpu.core_type = #tpu.core_type<sc_vector_subcore>, window_params = [{transform_indices = #map}, {transform_indices = #map}, {transform_indices = #map}, {transform_indices = #map1}, {transform_indices = #map2}]} {
    %mul3A = arith.constant 2 : i32
    %mul3A_0 = arith.muli %arg1, %mul3A : i32
    %add3A = arith.addi %mul3A_0, %arg0 : i32
    %jit3A = arith.constant 16 : i32
    %div3A = arith.divsi %add3A, %jit3A : i32
    %sign3A = arith.constant 0 : i32
    %sign3A_1 = arith.cmpi sgt, %add3A, %sign3A : i32
    %sign3A_2 = arith.extui %sign3A_1 : i1 to i32
    %sign3A_3 = arith.constant 0 : i32
    %sign3A_4 = arith.cmpi slt, %add3A, %sign3A_3 : i32
    %sign3A_5 = arith.extui %sign3A_4 : i1 to i32
    %sign3A_6 = arith.subi %sign3A_2, %sign3A_5 : i32
    %sign3A_7 = arith.constant 0 : i32
    %sign3A_8 = arith.cmpi sgt, %jit3A, %sign3A_7 : i32
    %sign3A_9 = arith.extui %sign3A_8 : i1 to i32
    %sign3A_10 = arith.constant 0 : i32
    %sign3A_11 = arith.cmpi slt, %jit3A, %sign3A_10 : i32
    %sign3A_12 = arith.extui %sign3A_11 : i1 to i32
    %sign3A_13 = arith.subi %sign3A_9, %sign3A_12 : i32
    %ne3A = arith.cmpi ne, %sign3A_6, %sign3A_13 : i32
    %rem3A = arith.remsi %add3A, %jit3A : i32
    %ne3A_14 = arith.constant 0 : i32
    %ne3A_15 = arith.cmpi ne, %rem3A, %ne3A_14 : i32
    %and3A = arith.andi %ne3A, %ne3A_15 : i1
    %sub3A = arith.constant 1 : i32
    %sub3A_16 = arith.subi %div3A, %sub3A : i32
    %select_n3A = arith.select %and3A, %sub3A_16, %div3A : i32
    %jit3A_17 = arith.constant 16 : i32
    %eq3A = arith.constant 0 : i32
    %eq3A_18 = arith.cmpi eq, %jit3A_17, %eq3A : i32
    %jit3A_19 = arith.constant 1 : i32
    %select_n3A_20 = arith.select %eq3A_18, %jit3A_19, %jit3A_17 : i32
    %rem3A_21 = arith.remsi %add3A, %select_n3A_20 : i32
    %ne3A_22 = arith.constant 0 : i32
    %ne3A_23 = arith.cmpi ne, %rem3A_21, %ne3A_22 : i32
    %lt3A = arith.constant 0 : i32
    %lt3A_24 = arith.cmpi slt, %rem3A_21, %lt3A : i32
    %lt3A_25 = arith.constant 0 : i32
    %lt3A_26 = arith.cmpi slt, %select_n3A_20, %lt3A_25 : i32
    %ne3A_27 = arith.xori %lt3A_24, %lt3A_26 : i1
    %and3A_28 = arith.andi %ne3A_27, %ne3A_23 : i1
    %add3A_29 = arith.addi %rem3A_21, %select_n3A_20 : i32
    %select_n3A_30 = arith.select %and3A_28, %add3A_29, %rem3A_21 : i32
    %jit3A_31 = arith.constant -256 : i32
    %jit3A_32 = arith.constant 0 : i32
    %jit3A_33 = arith.constant 1279 : i32
    %max3A = arith.maxsi %jit3A_32, %jit3A_31 : i32
    %min3A = arith.minsi %jit3A_33, %max3A : i32
    %mul3A_34 = arith.constant 64 : i32
    %mul3A_35 = arith.muli %min3A, %mul3A_34 : i32
    %dma_start3A = tpu.memref_slice %arg2[%select_n3A, %select_n3A_30, %mul3A_35] : memref<2x16x131072xf32, #tpu.memory_space<hbm>> -> memref<1x1x49216xf32, #tpu.memory_space<hbm>>
    %dma_start3A_36 = tpu.memref_squeeze %dma_start3A : memref<1x1x49216xf32, #tpu.memory_space<hbm>> -> memref<49216xf32, #tpu.memory_space<hbm>>
    %dma_start3A_37 = tpu.memref_slice %arg2[%select_n3A, %select_n3A_30, %mul3A_35] : memref<2x16x131072xf32, #tpu.memory_space<hbm>> -> memref<1x1x49216xf32, #tpu.memory_space<hbm>>
    %dma_start3A_38 = tpu.memref_squeeze %dma_start3A_37 : memref<1x1x49216xf32, #tpu.memory_space<hbm>> -> memref<49216xf32, #tpu.memory_space<hbm>>
    tpu.enqueue_dma source(%dma_start3A_38 : memref<49216xf32, #tpu.memory_space<hbm>>) target(%arg7 : memref<49216xf32, #tpu.memory_space<vmem>>) target_semaphore(%arg15 : memref<!tpu.dma_semaphore, #tpu.memory_space<semaphore_mem>>)
    %scan3A = arith.constant 0 : i32
    %scan3A_39 = arith.constant 4 : i32
    %scan3A_40 = arith.addi %scan3A, %scan3A_39 : i32
    %scan3A_41 = arith.constant 1 : i32
    scf.for %scan3A_51 = %scan3A to %scan3A_40 step %scan3A_41  : i32 {
      %mul3A_52 = arith.constant 2 : i32
      %mul3A_53 = arith.muli %scan3A_51, %mul3A_52 : i32
      %add3A_54 = arith.constant 0 : i32
      %add3A_55 = arith.addi %add3A_54, %mul3A_53 : i32
      %add3A_56 = arith.constant 1 : i32
      %add3A_57 = arith.addi %add3A_55, %add3A_56 : i32
      %mul3A_58 = arith.constant 256 : i32
      %mul3A_59 = arith.muli %add3A_57, %mul3A_58 : i32
      %sub3A_60 = arith.constant 256 : i32
      %sub3A_61 = arith.subi %mul3A_59, %sub3A_60 : i32
      %jit3A_62 = arith.constant 0 : i32
      %jit3A_63 = arith.constant 1279 : i32
      %max3A_64 = arith.maxsi %jit3A_62, %sub3A_61 : i32
      %min3A_65 = arith.minsi %jit3A_63, %max3A_64 : i32
      %mul3A_66 = arith.constant 64 : i32
      %mul3A_67 = arith.muli %min3A_65, %mul3A_66 : i32
      %dma_start3A_68 = tpu.memref_slice %arg2[%select_n3A, %select_n3A_30, %mul3A_67] : memref<2x16x131072xf32, #tpu.memory_space<hbm>> -> memref<1x1x49216xf32, #tpu.memory_space<hbm>>
      %dma_start3A_69 = tpu.memref_squeeze %dma_start3A_68 : memref<1x1x49216xf32, #tpu.memory_space<hbm>> -> memref<49216xf32, #tpu.memory_space<hbm>>
      %dma_start3A_70 = tpu.memref_slice %arg2[%select_n3A, %select_n3A_30, %mul3A_67] : memref<2x16x131072xf32, #tpu.memory_space<hbm>> -> memref<1x1x49216xf32, #tpu.memory_space<hbm>>
      %dma_start3A_71 = tpu.memref_squeeze %dma_start3A_70 : memref<1x1x49216xf32, #tpu.memory_space<hbm>> -> memref<49216xf32, #tpu.memory_space<hbm>>
      tpu.enqueue_dma source(%dma_start3A_71 : memref<49216xf32, #tpu.memory_space<hbm>>) target(%arg8 : memref<49216xf32, #tpu.memory_space<vmem>>) target_semaphore(%arg16 : memref<!tpu.dma_semaphore, #tpu.memory_space<semaphore_mem>>)
      %mul3A_72 = arith.constant 256 : i32
      %mul3A_73 = arith.muli %add3A_55, %mul3A_72 : i32
      %sub3A_74 = arith.constant 256 : i32
      %sub3A_75 = arith.subi %mul3A_73, %sub3A_74 : i32
      %jit3A_76 = arith.constant 0 : i32
      %jit3A_77 = arith.constant 1279 : i32
      %max3A_78 = arith.maxsi %jit3A_76, %sub3A_75 : i32
      %min3A_79 = arith.minsi %jit3A_77, %max3A_78 : i32
      "tpu.region"() ({
        %run_scoped3A = tpu.sem_alloc : memref<!tpu.dma_semaphore, #tpu.memory_space<semaphore_mem>>
        %dma_start3A_158 = arith.constant 0 : i32
        %dma_start3A_159 = tpu.memref_slice %arg5[%select_n3A, %select_n3A_30, %add3A_55, %dma_start3A_158] : memref<2x16x8x8448xf32, #tpu.memory_space<hbm>> -> memref<1x1x1x8448xf32, #tpu.memory_space<hbm>>
        %dma_start3A_160 = tpu.memref_squeeze %dma_start3A_159 : memref<1x1x1x8448xf32, #tpu.memory_space<hbm>> -> memref<8448xf32, #tpu.memory_space<hbm>>
        %dma_start3A_161 = arith.constant 0 : i32
        %dma_start3A_162 = tpu.memref_slice %arg5[%select_n3A, %select_n3A_30, %add3A_55, %dma_start3A_161] : memref<2x16x8x8448xf32, #tpu.memory_space<hbm>> -> memref<1x1x1x8448xf32, #tpu.memory_space<hbm>>
        %dma_start3A_163 = tpu.memref_squeeze %dma_start3A_162 : memref<1x1x1x8448xf32, #tpu.memory_space<hbm>> -> memref<8448xf32, #tpu.memory_space<hbm>>
        tpu.enqueue_dma source(%dma_start3A_163 : memref<8448xf32, #tpu.memory_space<hbm>>) target(%arg9 : memref<8448xf32, #tpu.memory_space<vmem>>) target_semaphore(%run_scoped3A : memref<!tpu.dma_semaphore, #tpu.memory_space<semaphore_mem>>)
        %dma_wait3A_164 = arith.constant 0 : i32
        %dma_wait3A_165 = tpu.memref_slice %arg5[%select_n3A, %select_n3A_30, %add3A_55, %dma_wait3A_164] : memref<2x16x8x8448xf32, #tpu.memory_space<hbm>> -> memref<1x1x1x8448xf32, #tpu.memory_space<hbm>>
        %dma_wait3A_166 = tpu.memref_squeeze %dma_wait3A_165 : memref<1x1x1x8448xf32, #tpu.memory_space<hbm>> -> memref<8448xf32, #tpu.memory_space<hbm>>
        %dma_wait3A_167 = arith.constant 0 : i32
        %dma_wait3A_168 = tpu.memref_slice %arg5[%select_n3A, %select_n3A_30, %add3A_55, %dma_wait3A_167] : memref<2x16x8x8448xf32, #tpu.memory_space<hbm>> -> memref<1x1x1x8448xf32, #tpu.memory_space<hbm>>
        %dma_wait3A_169 = tpu.memref_squeeze %dma_wait3A_168 : memref<1x1x1x8448xf32, #tpu.memory_space<hbm>> -> memref<8448xf32, #tpu.memory_space<hbm>>
        tpu.wait_dma2 semaphore(%run_scoped3A : memref<!tpu.dma_semaphore, #tpu.memory_space<semaphore_mem>>) src(%dma_wait3A_169 : memref<8448xf32, #tpu.memory_space<hbm>>) dst(%arg9 : memref<8448xf32, #tpu.memory_space<vmem>>)
        tpu.yield
      }) : () -> ()
      "tpu.region"() ({
        %run_scoped3A = tpu.sem_alloc : memref<!tpu.dma_semaphore, #tpu.memory_space<semaphore_mem>>
        %dma_start3A_158 = tpu.memref_slice %arg3[%select_n3A, %select_n3A_30, %mul3A_73] : memref<2x16x2048xf32, #tpu.memory_space<hbm>> -> memref<1x1x256xf32, #tpu.memory_space<hbm>>
        %dma_start3A_159 = tpu.memref_squeeze %dma_start3A_158 : memref<1x1x256xf32, #tpu.memory_space<hbm>> -> memref<256xf32, #tpu.memory_space<hbm>>
        %dma_start3A_160 = tpu.memref_slice %arg3[%select_n3A, %select_n3A_30, %mul3A_73] : memref<2x16x2048xf32, #tpu.memory_space<hbm>> -> memref<1x1x256xf32, #tpu.memory_space<hbm>>
        %dma_start3A_161 = tpu.memref_squeeze %dma_start3A_160 : memref<1x1x256xf32, #tpu.memory_space<hbm>> -> memref<256xf32, #tpu.memory_space<hbm>>
        tpu.enqueue_dma source(%dma_start3A_161 : memref<256xf32, #tpu.memory_space<hbm>>) target(%arg10 : memref<256xf32, #tpu.memory_space<vmem>>) target_semaphore(%run_scoped3A : memref<!tpu.dma_semaphore, #tpu.memory_space<semaphore_mem>>)
        %dma_wait3A_162 = tpu.memref_slice %arg3[%select_n3A, %select_n3A_30, %mul3A_73] : memref<2x16x2048xf32, #tpu.memory_space<hbm>> -> memref<1x1x256xf32, #tpu.memory_space<hbm>>
        %dma_wait3A_163 = tpu.memref_squeeze %dma_wait3A_162 : memref<1x1x256xf32, #tpu.memory_space<hbm>> -> memref<256xf32, #tpu.memory_space<hbm>>
        %dma_wait3A_164 = tpu.memref_slice %arg3[%select_n3A, %select_n3A_30, %mul3A_73] : memref<2x16x2048xf32, #tpu.memory_space<hbm>> -> memref<1x1x256xf32, #tpu.memory_space<hbm>>
        %dma_wait3A_165 = tpu.memref_squeeze %dma_wait3A_164 : memref<1x1x256xf32, #tpu.memory_space<hbm>> -> memref<256xf32, #tpu.memory_space<hbm>>
        tpu.wait_dma2 semaphore(%run_scoped3A : memref<!tpu.dma_semaphore, #tpu.memory_space<semaphore_mem>>) src(%dma_wait3A_165 : memref<256xf32, #tpu.memory_space<hbm>>) dst(%arg10 : memref<256xf32, #tpu.memory_space<vmem>>)
        tpu.yield
      }) : () -> ()
      "tpu.region"() ({
        %run_scoped3A = tpu.sem_alloc : memref<!tpu.dma_semaphore, #tpu.memory_space<semaphore_mem>>
        %dma_start3A_158 = tpu.memref_slice %arg4[%select_n3A, %select_n3A_30, %mul3A_73] : memref<2x16x2048xf32, #tpu.memory_space<hbm>> -> memref<1x1x256xf32, #tpu.memory_space<hbm>>
        %dma_start3A_159 = tpu.memref_squeeze %dma_start3A_158 : memref<1x1x256xf32, #tpu.memory_space<hbm>> -> memref<256xf32, #tpu.memory_space<hbm>>
        %dma_start3A_160 = tpu.memref_slice %arg4[%select_n3A, %select_n3A_30, %mul3A_73] : memref<2x16x2048xf32, #tpu.memory_space<hbm>> -> memref<1x1x256xf32, #tpu.memory_space<hbm>>
        %dma_start3A_161 = tpu.memref_squeeze %dma_start3A_160 : memref<1x1x256xf32, #tpu.memory_space<hbm>> -> memref<256xf32, #tpu.memory_space<hbm>>
        tpu.enqueue_dma source(%dma_start3A_161 : memref<256xf32, #tpu.memory_space<hbm>>) target(%arg11 : memref<256xf32, #tpu.memory_space<vmem>>) target_semaphore(%run_scoped3A : memref<!tpu.dma_semaphore, #tpu.memory_space<semaphore_mem>>)
        %dma_wait3A_162 = tpu.memref_slice %arg4[%select_n3A, %select_n3A_30, %mul3A_73] : memref<2x16x2048xf32, #tpu.memory_space<hbm>> -> memref<1x1x256xf32, #tpu.memory_space<hbm>>
        %dma_wait3A_163 = tpu.memref_squeeze %dma_wait3A_162 : memref<1x1x256xf32, #tpu.memory_space<hbm>> -> memref<256xf32, #tpu.memory_space<hbm>>
        %dma_wait3A_164 = tpu.memref_slice %arg4[%select_n3A, %select_n3A_30, %mul3A_73] : memref<2x16x2048xf32, #tpu.memory_space<hbm>> -> memref<1x1x256xf32, #tpu.memory_space<hbm>>
        %dma_wait3A_165 = tpu.memref_squeeze %dma_wait3A_164 : memref<1x1x256xf32, #tpu.memory_space<hbm>> -> memref<256xf32, #tpu.memory_space<hbm>>
        tpu.wait_dma2 semaphore(%run_scoped3A : memref<!tpu.dma_semaphore, #tpu.memory_space<semaphore_mem>>) src(%dma_wait3A_165 : memref<256xf32, #tpu.memory_space<hbm>>) dst(%arg11 : memref<256xf32, #tpu.memory_space<vmem>>)
        tpu.yield
      }) : () -> ()
      %mul3A_80 = arith.constant 256 : i32
      %mul3A_81 = arith.muli %add3A_55, %mul3A_80 : i32
      %sub3A_82 = arith.constant 256 : i32
      %sub3A_83 = arith.subi %mul3A_81, %sub3A_82 : i32
      %jit3A_84 = arith.constant 0 : i32
      %jit3A_85 = arith.constant 1279 : i32
      %max3A_86 = arith.maxsi %jit3A_84, %sub3A_83 : i32
      %min3A_87 = arith.minsi %jit3A_85, %max3A_86 : i32
      %mul3A_88 = arith.constant 64 : i32
      %mul3A_89 = arith.muli %min3A_87, %mul3A_88 : i32
      %dma_wait3A_90 = tpu.memref_slice %arg2[%select_n3A, %select_n3A_30, %mul3A_89] : memref<2x16x131072xf32, #tpu.memory_space<hbm>> -> memref<1x1x49216xf32, #tpu.memory_space<hbm>>
      %dma_wait3A_91 = tpu.memref_squeeze %dma_wait3A_90 : memref<1x1x49216xf32, #tpu.memory_space<hbm>> -> memref<49216xf32, #tpu.memory_space<hbm>>
      %dma_wait3A_92 = tpu.memref_slice %arg2[%select_n3A, %select_n3A_30, %mul3A_89] : memref<2x16x131072xf32, #tpu.memory_space<hbm>> -> memref<1x1x49216xf32, #tpu.memory_space<hbm>>
      %dma_wait3A_93 = tpu.memref_squeeze %dma_wait3A_92 : memref<1x1x49216xf32, #tpu.memory_space<hbm>> -> memref<49216xf32, #tpu.memory_space<hbm>>
      tpu.wait_dma2 semaphore(%arg15 : memref<!tpu.dma_semaphore, #tpu.memory_space<semaphore_mem>>) src(%dma_wait3A_93 : memref<49216xf32, #tpu.memory_space<hbm>>) dst(%arg7 : memref<49216xf32, #tpu.memory_space<vmem>>)
      %gt3A = arith.constant 0 : i32
      %gt3A_94 = arith.cmpi sgt, %add3A_55, %gt3A : i32
      %convert_element_type3A = arith.extui %gt3A_94 : i1 to i32
      %cond3A = arith.constant 0 : i32
      %cond3A_95 = arith.cmpi ne, %convert_element_type3A, %cond3A : i32
      scf.if %cond3A_95 {
        %sub3A_158 = arith.constant 1 : i32
        %sub3A_159 = arith.subi %add3A_55, %sub3A_158 : i32
        %dma_wait3A_160 = arith.constant 0 : i32
        %dma_wait3A_161 = arith.constant 0 : i32
        %dma_wait3A_162 = tpu.memref_slice %arg6[%select_n3A, %select_n3A_30, %sub3A_159, %dma_wait3A_160, %dma_wait3A_161] : memref<2x16x8x256x64xf32, #tpu.memory_space<hbm>> -> memref<1x1x1x256x64xf32, #tpu.memory_space<hbm>>
        %dma_wait3A_163 = tpu.memref_squeeze %dma_wait3A_162 : memref<1x1x1x256x64xf32, #tpu.memory_space<hbm>> -> memref<256x64xf32, #tpu.memory_space<hbm>>
        %dma_wait3A_164 = arith.constant 0 : i32
        %dma_wait3A_165 = arith.constant 0 : i32
        %dma_wait3A_166 = tpu.memref_slice %arg6[%select_n3A, %select_n3A_30, %sub3A_159, %dma_wait3A_164, %dma_wait3A_165] : memref<2x16x8x256x64xf32, #tpu.memory_space<hbm>> -> memref<1x1x1x256x64xf32, #tpu.memory_space<hbm>>
        %dma_wait3A_167 = tpu.memref_squeeze %dma_wait3A_166 : memref<1x1x1x256x64xf32, #tpu.memory_space<hbm>> -> memref<256x64xf32, #tpu.memory_space<hbm>>
        tpu.wait_dma2 semaphore(%arg17 : memref<!tpu.dma_semaphore, #tpu.memory_space<semaphore_mem>>) src(%arg12 : memref<256x64xf32, #tpu.memory_space<vmem>>) dst(%dma_wait3A_167 : memref<256x64xf32, #tpu.memory_space<hbm>>)
      } else {
      }
      %scan3A_96 = arith.constant 0 : i32
      %scan3A_97 = arith.constant 16 : i32
      %scan3A_98 = arith.addi %scan3A_96, %scan3A_97 : i32
      %scan3A_99 = arith.constant 1 : i32
      scf.for %scan3A_158 = %scan3A_96 to %scan3A_98 step %scan3A_99  : i32 {
        %mul3A_159 = arith.constant 16 : i32
        %mul3A_160 = arith.muli %scan3A_158, %mul3A_159 : i32
        %add3A_161 = arith.constant 0 : i32
        %add3A_162 = arith.addi %add3A_161, %mul3A_160 : i32
        %get3A = arith.index_cast %add3A_162 : i32 to index
        %get3A_163 = tpu.vector_load %arg10[%get3A] {strides = array<i32>} : memref<256xf32, #tpu.memory_space<vmem>>, vector<16xf32>,
        %get3A_164 = arith.index_cast %add3A_162 : i32 to index
        %get3A_165 = tpu.vector_load %arg11[%get3A_164] {strides = array<i32>} : memref<256xf32, #tpu.memory_space<vmem>>, vector<16xf32>,
        %add3A_166 = arith.addi %mul3A_73, %add3A_162 : i32
        %iota3A = tpu.iota {dimensions = array<i32: 0>} : vector<16xi32>
        %add3A_167 = vector.broadcast %add3A_166 : i32 to vector<16xi32>
        %add3A_168 = arith.addi %add3A_167, %iota3A : vector<16xi32>
        %convert_element_type3A_169 = arith.sitofp %add3A_168 : vector<16xi32> to vector<16xf32>
        %parallel_loop3A = arith.constant 0 : i32
        %parallel_loop3A_170 = arith.constant 33 : i32
        %parallel_loop3A_171 = arith.constant 1 : i32
        scf.for %parallel_loop3A_197 = %parallel_loop3A to %parallel_loop3A_170 step %parallel_loop3A_171  : i32 {
          %parallel_loop3A_198 = arith.constant 256 : i32
          %parallel_loop3A_199 = arith.muli %parallel_loop3A_197, %parallel_loop3A_198 : i32
          %parallel_loop3A_200 = arith.addi %parallel_loop3A_199, %add3A_162 : i32
          %parallel_loop3A_201 = arith.index_cast %parallel_loop3A_200 : i32 to index
          %parallel_loop3A_202 = tpu.vector_load %arg9[%parallel_loop3A_201] {strides = array<i32>} : memref<8448xf32, #tpu.memory_space<vmem>>, vector<16xf32>,
          %parallel_loop3A_203 = arith.constant 16 : i32
          %parallel_loop3A_204 = arith.subi %parallel_loop3A_197, %parallel_loop3A_203 : i32
          %parallel_loop3A_205 = arith.sitofp %parallel_loop3A_204 : i32 to f32
          %parallel_loop3A_206 = vector.broadcast %parallel_loop3A_205 : f32 to vector<16xf32>
          %parallel_loop3A_207 = arith.mulf %parallel_loop3A_206, %get3A_163 : vector<16xf32>
          %parallel_loop3A_208 = arith.addf %parallel_loop3A_207, %get3A_165 : vector<16xf32>
          %parallel_loop3A_209 = arith.constant -2.560000e+02 : f32
          %parallel_loop3A_210 = arith.constant 2.560000e+02 : f32
          %parallel_loop3A_211 = vector.broadcast %parallel_loop3A_209 : f32 to vector<16xf32>
          %parallel_loop3A_212 = arith.maximumf %parallel_loop3A_211, %parallel_loop3A_208 : vector<16xf32>
          %parallel_loop3A_213 = vector.broadcast %parallel_loop3A_210 : f32 to vector<16xf32>
          %parallel_loop3A_214 = arith.minimumf %parallel_loop3A_213, %parallel_loop3A_212 : vector<16xf32>
          %parallel_loop3A_215 = arith.addf %convert_element_type3A_169, %parallel_loop3A_214 : vector<16xf32>
          %parallel_loop3A_216 = arith.fptosi %parallel_loop3A_215 : vector<16xf32> to vector<16xi32>
          %parallel_loop3A_217 = arith.sitofp %parallel_loop3A_216 : vector<16xi32> to vector<16xf32>
          %parallel_loop3A_218 = arith.cmpf ogt, %parallel_loop3A_217, %parallel_loop3A_215 : vector<16xf32>
          %parallel_loop3A_219 = arith.constant 1 : i32
          %parallel_loop3A_220 = vector.broadcast %parallel_loop3A_219 : i32 to vector<16xi32>
          %parallel_loop3A_221 = arith.subi %parallel_loop3A_216, %parallel_loop3A_220 : vector<16xi32>
          %parallel_loop3A_222 = arith.select %parallel_loop3A_218, %parallel_loop3A_221, %parallel_loop3A_216 : vector<16xi1>, vector<16xi32>
          %parallel_loop3A_223 = arith.sitofp %parallel_loop3A_222 : vector<16xi32> to vector<16xf32>
          %parallel_loop3A_224 = arith.subf %parallel_loop3A_215, %parallel_loop3A_223 : vector<16xf32>
          %parallel_loop3A_225 = arith.constant 0 : i32
          %parallel_loop3A_226 = arith.constant 2047 : i32
          %parallel_loop3A_227 = vector.broadcast %parallel_loop3A_225 : i32 to vector<16xi32>
          %parallel_loop3A_228 = arith.maxsi %parallel_loop3A_227, %parallel_loop3A_222 : vector<16xi32>
          %parallel_loop3A_229 = vector.broadcast %parallel_loop3A_226 : i32 to vector<16xi32>
          %parallel_loop3A_230 = arith.minsi %parallel_loop3A_229, %parallel_loop3A_228 : vector<16xi32>
          %parallel_loop3A_231 = vector.broadcast %min3A_79 : i32 to vector<16xi32>
          %parallel_loop3A_232 = arith.subi %parallel_loop3A_230, %parallel_loop3A_231 : vector<16xi32>
          %parallel_loop3A_233 = arith.constant 64 : i32
          %parallel_loop3A_234 = vector.broadcast %parallel_loop3A_233 : i32 to vector<16xi32>
          %parallel_loop3A_235 = arith.muli %parallel_loop3A_232, %parallel_loop3A_234 : vector<16xi32>
          %parallel_loop3A_236 = arith.constant 16 : i32
          %parallel_loop3A_237 = arith.muli %parallel_loop3A_197, %parallel_loop3A_236 : i32
          %parallel_loop3A_238 = arith.index_cast %parallel_loop3A_237 : i32 to index
          %parallel_loop3A_239 = tpu.vector_load %arg13[%parallel_loop3A_238] {strides = array<i32>} : memref<528xi32, #tpu.memory_space<vmem>>, vector<16xi32>,
          tpu.vector_store %arg13[%parallel_loop3A_238], %parallel_loop3A_235 {strides = array<i32>} : memref<528xi32, #tpu.memory_space<vmem>>, vector<16xi32>,
          %parallel_loop3A_240 = arith.mulf %parallel_loop3A_202, %parallel_loop3A_224 : vector<16xf32>
          %parallel_loop3A_241 = arith.subf %parallel_loop3A_202, %parallel_loop3A_240 : vector<16xf32>
          %parallel_loop3A_242 = arith.constant 16 : i32
          %parallel_loop3A_243 = arith.muli %parallel_loop3A_197, %parallel_loop3A_242 : i32
          %parallel_loop3A_244 = arith.index_cast %parallel_loop3A_243 : i32 to index
          %parallel_loop3A_245 = tpu.vector_load %arg14[%parallel_loop3A_244] {strides = array<i32>} : memref<1056xf32, #tpu.memory_space<vmem>>, vector<16xf32>,
          tpu.vector_store %arg14[%parallel_loop3A_244], %parallel_loop3A_241 {strides = array<i32>} : memref<1056xf32, #tpu.memory_space<vmem>>, vector<16xf32>,
          %parallel_loop3A_246 = arith.constant 33 : i32
          %parallel_loop3A_247 = arith.addi %parallel_loop3A_246, %parallel_loop3A_197 : i32
          %parallel_loop3A_248 = arith.constant 16 : i32
          %parallel_loop3A_249 = arith.muli %parallel_loop3A_247, %parallel_loop3A_248 : i32
          %parallel_loop3A_250 = arith.index_cast %parallel_loop3A_249 : i32 to index
          %parallel_loop3A_251 = tpu.vector_load %arg14[%parallel_loop3A_250] {strides = array<i32>} : memref<1056xf32, #tpu.memory_space<vmem>>, vector<16xf32>,
          tpu.vector_store %arg14[%parallel_loop3A_250], %parallel_loop3A_240 {strides = array<i32>} : memref<1056xf32, #tpu.memory_space<vmem>>, vector<16xf32>,
        } {sc.loop_unroll_factor = 1 : i64, sc.parallel_access}
        %iota3A_172 = tpu.iota {dimensions = array<i32: 0>} : vector<16xi32>
        %add3A_173 = arith.constant 0 : i32
        %add3A_174 = vector.broadcast %add3A_173 : i32 to vector<16xi32>
        %add3A_175 = arith.addi %iota3A_172, %add3A_174 : vector<16xi32>
        %iota3A_176 = tpu.iota {dimensions = array<i32: 0>} : vector<16xi32>
        %add3A_177 = arith.constant 16 : i32
        %add3A_178 = vector.broadcast %add3A_177 : i32 to vector<16xi32>
        %add3A_179 = arith.addi %iota3A_176, %add3A_178 : vector<16xi32>
        %iota3A_180 = tpu.iota {dimensions = array<i32: 0>} : vector<16xi32>
        %add3A_181 = arith.constant 32 : i32
        %add3A_182 = vector.broadcast %add3A_181 : i32 to vector<16xi32>
        %add3A_183 = arith.addi %iota3A_180, %add3A_182 : vector<16xi32>
        %iota3A_184 = tpu.iota {dimensions = array<i32: 0>} : vector<16xi32>
        %add3A_185 = arith.constant 48 : i32
        %add3A_186 = vector.broadcast %add3A_185 : i32 to vector<16xi32>
        %add3A_187 = arith.addi %iota3A_184, %add3A_186 : vector<16xi32>
        %sub3A_188 = arith.constant 2047 : i32
        %sub3A_189 = arith.subi %sub3A_188, %min3A_79 : i32
        %mul3A_190 = arith.constant 64 : i32
        %mul3A_191 = arith.muli %sub3A_189, %mul3A_190 : i32
        %broadcast_in_dim3A = vector.broadcast %mul3A_191 : i32 to vector<16xi32>
        %scan3A_192 = arith.constant 0 : i32
        %scan3A_193 = arith.constant 16 : i32
        %scan3A_194 = arith.addi %scan3A_192, %scan3A_193 : i32
        %scan3A_195 = arith.constant 1 : i32
        scf.for %scan3A_197 = %scan3A_192 to %scan3A_194 step %scan3A_195  : i32 {
          %mul3A_198 = arith.constant 1 : i32
          %mul3A_199 = arith.muli %scan3A_197, %mul3A_198 : i32
          %add3A_200 = arith.constant 0 : i32
          %add3A_201 = arith.addi %add3A_200, %mul3A_199 : i32
          %broadcast_in_dim3A_202 = arith.constant 0.000000e+00 : f32
          %broadcast_in_dim3A_203 = vector.broadcast %broadcast_in_dim3A_202 : f32 to vector<16xf32>
          %parallel_loop3A_204 = arith.constant 0 : i32
          %parallel_loop3A_205 = arith.constant 33 : i32
          %parallel_loop3A_206 = arith.constant 1 : i32
          %parallel_loop3A_207:4 = scf.for %parallel_loop3A_223 = %parallel_loop3A_204 to %parallel_loop3A_205 step %parallel_loop3A_206 iter_args(%parallel_loop3A_224 = %broadcast_in_dim3A_203, %parallel_loop3A_225 = %broadcast_in_dim3A_203, %parallel_loop3A_226 = %broadcast_in_dim3A_203, %parallel_loop3A_227 = %broadcast_in_dim3A_203) -> (vector<16xf32>, vector<16xf32>, vector<16xf32>, vector<16xf32>)  : i32 {
            %parallel_loop3A_228 = arith.constant 16 : i32
            %parallel_loop3A_229 = arith.muli %parallel_loop3A_223, %parallel_loop3A_228 : i32
            %parallel_loop3A_230 = arith.addi %parallel_loop3A_229, %add3A_201 : i32
            %parallel_loop3A_231 = vector.broadcast %parallel_loop3A_230 : i32 to vector<16xi32>
            %parallel_loop3A_232 = tpu.vector_load_idx %arg13[%parallel_loop3A_231] : memref<528xi32, #tpu.memory_space<vmem>>[vector<16xi32>], vector<16xi32>,
            %parallel_loop3A_233 = arith.constant 64 : i32
            %parallel_loop3A_234 = vector.broadcast %parallel_loop3A_233 : i32 to vector<16xi32>
            %parallel_loop3A_235 = arith.addi %parallel_loop3A_232, %parallel_loop3A_234 : vector<16xi32>
            %parallel_loop3A_236 = arith.minsi %parallel_loop3A_235, %broadcast_in_dim3A : vector<16xi32>
            %parallel_loop3A_237 = tpu.vector_load_idx %arg14[%parallel_loop3A_231] : memref<1056xf32, #tpu.memory_space<vmem>>[vector<16xi32>], vector<16xf32>,
            %parallel_loop3A_238 = arith.constant 528 : i32
            %parallel_loop3A_239 = vector.broadcast %parallel_loop3A_238 : i32 to vector<16xi32>
            %parallel_loop3A_240 = arith.addi %parallel_loop3A_231, %parallel_loop3A_239 : vector<16xi32>
            %parallel_loop3A_241 = tpu.vector_load_idx %arg14[%parallel_loop3A_240] : memref<1056xf32, #tpu.memory_space<vmem>>[vector<16xi32>], vector<16xf32>,
            %parallel_loop3A_242 = arith.addi %parallel_loop3A_232, %add3A_175 : vector<16xi32>
            %parallel_loop3A_243 = tpu.vector_load_idx %arg7[%parallel_loop3A_242] : memref<49216xf32, #tpu.memory_space<vmem>>[vector<16xi32>], vector<16xf32>,
            %parallel_loop3A_244 = arith.addi %parallel_loop3A_236, %add3A_175 : vector<16xi32>
            %parallel_loop3A_245 = tpu.vector_load_idx %arg7[%parallel_loop3A_244] : memref<49216xf32, #tpu.memory_space<vmem>>[vector<16xi32>], vector<16xf32>,
            %parallel_loop3A_246 = arith.mulf %parallel_loop3A_237, %parallel_loop3A_243 : vector<16xf32>
            %parallel_loop3A_247 = arith.mulf %parallel_loop3A_241, %parallel_loop3A_245 : vector<16xf32>
            %parallel_loop3A_248 = arith.addf %parallel_loop3A_246, %parallel_loop3A_247 : vector<16xf32>
            %parallel_loop3A_249 = arith.addf %parallel_loop3A_224, %parallel_loop3A_248 : vector<16xf32>
            %parallel_loop3A_250 = arith.addi %parallel_loop3A_232, %add3A_179 : vector<16xi32>
            %parallel_loop3A_251 = tpu.vector_load_idx %arg7[%parallel_loop3A_250] : memref<49216xf32, #tpu.memory_space<vmem>>[vector<16xi32>], vector<16xf32>,
            %parallel_loop3A_252 = arith.addi %parallel_loop3A_236, %add3A_179 : vector<16xi32>
            %parallel_loop3A_253 = tpu.vector_load_idx %arg7[%parallel_loop3A_252] : memref<49216xf32, #tpu.memory_space<vmem>>[vector<16xi32>], vector<16xf32>,
            %parallel_loop3A_254 = arith.mulf %parallel_loop3A_237, %parallel_loop3A_251 : vector<16xf32>
            %parallel_loop3A_255 = arith.mulf %parallel_loop3A_241, %parallel_loop3A_253 : vector<16xf32>
            %parallel_loop3A_256 = arith.addf %parallel_loop3A_254, %parallel_loop3A_255 : vector<16xf32>
            %parallel_loop3A_257 = arith.addf %parallel_loop3A_225, %parallel_loop3A_256 : vector<16xf32>
            %parallel_loop3A_258 = arith.addi %parallel_loop3A_232, %add3A_183 : vector<16xi32>
            %parallel_loop3A_259 = tpu.vector_load_idx %arg7[%parallel_loop3A_258] : memref<49216xf32, #tpu.memory_space<vmem>>[vector<16xi32>], vector<16xf32>,
            %parallel_loop3A_260 = arith.addi %parallel_loop3A_236, %add3A_183 : vector<16xi32>
            %parallel_loop3A_261 = tpu.vector_load_idx %arg7[%parallel_loop3A_260] : memref<49216xf32, #tpu.memory_space<vmem>>[vector<16xi32>], vector<16xf32>,
            %parallel_loop3A_262 = arith.mulf %parallel_loop3A_237, %parallel_loop3A_259 : vector<16xf32>
            %parallel_loop3A_263 = arith.mulf %parallel_loop3A_241, %parallel_loop3A_261 : vector<16xf32>
            %parallel_loop3A_264 = arith.addf %parallel_loop3A_262, %parallel_loop3A_263 : vector<16xf32>
            %parallel_loop3A_265 = arith.addf %parallel_loop3A_226, %parallel_loop3A_264 : vector<16xf32>
            %parallel_loop3A_266 = arith.addi %parallel_loop3A_232, %add3A_187 : vector<16xi32>
            %parallel_loop3A_267 = tpu.vector_load_idx %arg7[%parallel_loop3A_266] : memref<49216xf32, #tpu.memory_space<vmem>>[vector<16xi32>], vector<16xf32>,
            %parallel_loop3A_268 = arith.addi %parallel_loop3A_236, %add3A_187 : vector<16xi32>
            %parallel_loop3A_269 = tpu.vector_load_idx %arg7[%parallel_loop3A_268] : memref<49216xf32, #tpu.memory_space<vmem>>[vector<16xi32>], vector<16xf32>,
            %parallel_loop3A_270 = arith.mulf %parallel_loop3A_237, %parallel_loop3A_267 : vector<16xf32>
            %parallel_loop3A_271 = arith.mulf %parallel_loop3A_241, %parallel_loop3A_269 : vector<16xf32>
            %parallel_loop3A_272 = arith.addf %parallel_loop3A_270, %parallel_loop3A_271 : vector<16xf32>
            %parallel_loop3A_273 = arith.addf %parallel_loop3A_227, %parallel_loop3A_272 : vector<16xf32>
            scf.yield %parallel_loop3A_249, %parallel_loop3A_257, %parallel_loop3A_265, %parallel_loop3A_273 : vector<16xf32>, vector<16xf32>, vector<16xf32>, vector<16xf32>
          } {sc.loop_unroll_factor = 3 : i64, sc.parallel_access}
          %add3A_208 = arith.addi %add3A_162, %add3A_201 : i32
          %swap3A = arith.index_cast %add3A_208 : i32 to index
          %swap3A_209 = arith.constant 0 : index
          %swap3A_210 = tpu.vector_load %arg12[%swap3A, %swap3A_209] {strides = array<i32>} : memref<256x64xf32, #tpu.memory_space<vmem>>, vector<16xf32>,
          tpu.vector_store %arg12[%swap3A, %swap3A_209], %parallel_loop3A_207#0 {strides = array<i32>} : memref<256x64xf32, #tpu.memory_space<vmem>>, vector<16xf32>,
          %add3A_211 = arith.addi %add3A_162, %add3A_201 : i32
          %swap3A_212 = arith.index_cast %add3A_211 : i32 to index
          %swap3A_213 = arith.constant 16 : index
          %swap3A_214 = tpu.vector_load %arg12[%swap3A_212, %swap3A_213] {strides = array<i32>} : memref<256x64xf32, #tpu.memory_space<vmem>>, vector<16xf32>,
          tpu.vector_store %arg12[%swap3A_212, %swap3A_213], %parallel_loop3A_207#1 {strides = array<i32>} : memref<256x64xf32, #tpu.memory_space<vmem>>, vector<16xf32>,
          %add3A_215 = arith.addi %add3A_162, %add3A_201 : i32
          %swap3A_216 = arith.index_cast %add3A_215 : i32 to index
          %swap3A_217 = arith.constant 32 : index
          %swap3A_218 = tpu.vector_load %arg12[%swap3A_216, %swap3A_217] {strides = array<i32>} : memref<256x64xf32, #tpu.memory_space<vmem>>, vector<16xf32>,
          tpu.vector_store %arg12[%swap3A_216, %swap3A_217], %parallel_loop3A_207#2 {strides = array<i32>} : memref<256x64xf32, #tpu.memory_space<vmem>>, vector<16xf32>,
          %add3A_219 = arith.addi %add3A_162, %add3A_201 : i32
          %swap3A_220 = arith.index_cast %add3A_219 : i32 to index
          %swap3A_221 = arith.constant 48 : index
          %swap3A_222 = tpu.vector_load %arg12[%swap3A_220, %swap3A_221] {strides = array<i32>} : memref<256x64xf32, #tpu.memory_space<vmem>>, vector<16xf32>,
          tpu.vector_store %arg12[%swap3A_220, %swap3A_221], %parallel_loop3A_207#3 {strides = array<i32>} : memref<256x64xf32, #tpu.memory_space<vmem>>, vector<16xf32>,
        }
        %scan3A_196 = arith.constant 16 : i32
      }
      %scan3A_100 = arith.constant 16 : i32
      %dma_start3A_101 = arith.constant 0 : i32
      %dma_start3A_102 = arith.constant 0 : i32
      %dma_start3A_103 = tpu.memref_slice %arg6[%select_n3A, %select_n3A_30, %add3A_55, %dma_start3A_101, %dma_start3A_102] : memref<2x16x8x256x64xf32, #tpu.memory_space<hbm>> -> memref<1x1x1x256x64xf32, #tpu.memory_space<hbm>>
      %dma_start3A_104 = tpu.memref_squeeze %dma_start3A_103 : memref<1x1x1x256x64xf32, #tpu.memory_space<hbm>> -> memref<256x64xf32, #tpu.memory_space<hbm>>
      %dma_start3A_105 = arith.constant 0 : i32
      %dma_start3A_106 = arith.constant 0 : i32
      %dma_start3A_107 = tpu.memref_slice %arg6[%select_n3A, %select_n3A_30, %add3A_55, %dma_start3A_105, %dma_start3A_106] : memref<2x16x8x256x64xf32, #tpu.memory_space<hbm>> -> memref<1x1x1x256x64xf32, #tpu.memory_space<hbm>>
      %dma_start3A_108 = tpu.memref_squeeze %dma_start3A_107 : memref<1x1x1x256x64xf32, #tpu.memory_space<hbm>> -> memref<256x64xf32, #tpu.memory_space<hbm>>
      tpu.enqueue_dma source(%arg12 : memref<256x64xf32, #tpu.memory_space<vmem>>) target(%dma_start3A_108 : memref<256x64xf32, #tpu.memory_space<hbm>>) target_semaphore(%arg17 : memref<!tpu.dma_semaphore, #tpu.memory_space<semaphore_mem>>)
      %add3A_109 = arith.constant 2 : i32
      %add3A_110 = arith.addi %add3A_55, %add3A_109 : i32
      %lt3A_111 = arith.constant 8 : i32
      %lt3A_112 = arith.cmpi slt, %add3A_110, %lt3A_111 : i32
      %convert_element_type3A_113 = arith.extui %lt3A_112 : i1 to i32
      %cond3A_114 = arith.constant 0 : i32
      %cond3A_115 = arith.cmpi ne, %convert_element_type3A_113, %cond3A_114 : i32
      scf.if %cond3A_115 {
        %add3A_158 = arith.constant 2 : i32
        %add3A_159 = arith.addi %add3A_55, %add3A_158 : i32
        %mul3A_160 = arith.constant 256 : i32
        %mul3A_161 = arith.muli %add3A_159, %mul3A_160 : i32
        %sub3A_162 = arith.constant 256 : i32
        %sub3A_163 = arith.subi %mul3A_161, %sub3A_162 : i32
        %jit3A_164 = arith.constant 0 : i32
        %jit3A_165 = arith.constant 1279 : i32
        %max3A_166 = arith.maxsi %jit3A_164, %sub3A_163 : i32
        %min3A_167 = arith.minsi %jit3A_165, %max3A_166 : i32
        %mul3A_168 = arith.constant 64 : i32
        %mul3A_169 = arith.muli %min3A_167, %mul3A_168 : i32
        %dma_start3A_170 = tpu.memref_slice %arg2[%select_n3A, %select_n3A_30, %mul3A_169] : memref<2x16x131072xf32, #tpu.memory_space<hbm>> -> memref<1x1x49216xf32, #tpu.memory_space<hbm>>
        %dma_start3A_171 = tpu.memref_squeeze %dma_start3A_170 : memref<1x1x49216xf32, #tpu.memory_space<hbm>> -> memref<49216xf32, #tpu.memory_space<hbm>>
        %dma_start3A_172 = tpu.memref_slice %arg2[%select_n3A, %select_n3A_30, %mul3A_169] : memref<2x16x131072xf32, #tpu.memory_space<hbm>> -> memref<1x1x49216xf32, #tpu.memory_space<hbm>>
        %dma_start3A_173 = tpu.memref_squeeze %dma_start3A_172 : memref<1x1x49216xf32, #tpu.memory_space<hbm>> -> memref<49216xf32, #tpu.memory_space<hbm>>
        tpu.enqueue_dma source(%dma_start3A_173 : memref<49216xf32, #tpu.memory_space<hbm>>) target(%arg7 : memref<49216xf32, #tpu.memory_space<vmem>>) target_semaphore(%arg15 : memref<!tpu.dma_semaphore, #tpu.memory_space<semaphore_mem>>)
      } else {
      }
      %add3A_116 = arith.constant 1 : i32
      %add3A_117 = arith.addi %add3A_55, %add3A_116 : i32
      %mul3A_118 = arith.constant 256 : i32
      %mul3A_119 = arith.muli %add3A_117, %mul3A_118 : i32
      %sub3A_120 = arith.constant 256 : i32
      %sub3A_121 = arith.subi %mul3A_119, %sub3A_120 : i32
      %jit3A_122 = arith.constant 0 : i32
      %jit3A_123 = arith.constant 1279 : i32
      %max3A_124 = arith.maxsi %jit3A_122, %sub3A_121 : i32
      %min3A_125 = arith.minsi %jit3A_123, %max3A_124 : i32
      "tpu.region"() ({
        %run_scoped3A = tpu.sem_alloc : memref<!tpu.dma_semaphore, #tpu.memory_space<semaphore_mem>>
        %dma_start3A_158 = arith.constant 0 : i32
        %dma_start3A_159 = tpu.memref_slice %arg5[%select_n3A, %select_n3A_30, %add3A_117, %dma_start3A_158] : memref<2x16x8x8448xf32, #tpu.memory_space<hbm>> -> memref<1x1x1x8448xf32, #tpu.memory_space<hbm>>
        %dma_start3A_160 = tpu.memref_squeeze %dma_start3A_159 : memref<1x1x1x8448xf32, #tpu.memory_space<hbm>> -> memref<8448xf32, #tpu.memory_space<hbm>>
        %dma_start3A_161 = arith.constant 0 : i32
        %dma_start3A_162 = tpu.memref_slice %arg5[%select_n3A, %select_n3A_30, %add3A_117, %dma_start3A_161] : memref<2x16x8x8448xf32, #tpu.memory_space<hbm>> -> memref<1x1x1x8448xf32, #tpu.memory_space<hbm>>
        %dma_start3A_163 = tpu.memref_squeeze %dma_start3A_162 : memref<1x1x1x8448xf32, #tpu.memory_space<hbm>> -> memref<8448xf32, #tpu.memory_space<hbm>>
        tpu.enqueue_dma source(%dma_start3A_163 : memref<8448xf32, #tpu.memory_space<hbm>>) target(%arg9 : memref<8448xf32, #tpu.memory_space<vmem>>) target_semaphore(%run_scoped3A : memref<!tpu.dma_semaphore, #tpu.memory_space<semaphore_mem>>)
        %dma_wait3A_164 = arith.constant 0 : i32
        %dma_wait3A_165 = tpu.memref_slice %arg5[%select_n3A, %select_n3A_30, %add3A_117, %dma_wait3A_164] : memref<2x16x8x8448xf32, #tpu.memory_space<hbm>> -> memref<1x1x1x8448xf32, #tpu.memory_space<hbm>>
        %dma_wait3A_166 = tpu.memref_squeeze %dma_wait3A_165 : memref<1x1x1x8448xf32, #tpu.memory_space<hbm>> -> memref<8448xf32, #tpu.memory_space<hbm>>
        %dma_wait3A_167 = arith.constant 0 : i32
        %dma_wait3A_168 = tpu.memref_slice %arg5[%select_n3A, %select_n3A_30, %add3A_117, %dma_wait3A_167] : memref<2x16x8x8448xf32, #tpu.memory_space<hbm>> -> memref<1x1x1x8448xf32, #tpu.memory_space<hbm>>
        %dma_wait3A_169 = tpu.memref_squeeze %dma_wait3A_168 : memref<1x1x1x8448xf32, #tpu.memory_space<hbm>> -> memref<8448xf32, #tpu.memory_space<hbm>>
        tpu.wait_dma2 semaphore(%run_scoped3A : memref<!tpu.dma_semaphore, #tpu.memory_space<semaphore_mem>>) src(%dma_wait3A_169 : memref<8448xf32, #tpu.memory_space<hbm>>) dst(%arg9 : memref<8448xf32, #tpu.memory_space<vmem>>)
        tpu.yield
      }) : () -> ()
      "tpu.region"() ({
        %run_scoped3A = tpu.sem_alloc : memref<!tpu.dma_semaphore, #tpu.memory_space<semaphore_mem>>
        %dma_start3A_158 = tpu.memref_slice %arg3[%select_n3A, %select_n3A_30, %mul3A_119] : memref<2x16x2048xf32, #tpu.memory_space<hbm>> -> memref<1x1x256xf32, #tpu.memory_space<hbm>>
        %dma_start3A_159 = tpu.memref_squeeze %dma_start3A_158 : memref<1x1x256xf32, #tpu.memory_space<hbm>> -> memref<256xf32, #tpu.memory_space<hbm>>
        %dma_start3A_160 = tpu.memref_slice %arg3[%select_n3A, %select_n3A_30, %mul3A_119] : memref<2x16x2048xf32, #tpu.memory_space<hbm>> -> memref<1x1x256xf32, #tpu.memory_space<hbm>>
        %dma_start3A_161 = tpu.memref_squeeze %dma_start3A_160 : memref<1x1x256xf32, #tpu.memory_space<hbm>> -> memref<256xf32, #tpu.memory_space<hbm>>
        tpu.enqueue_dma source(%dma_start3A_161 : memref<256xf32, #tpu.memory_space<hbm>>) target(%arg10 : memref<256xf32, #tpu.memory_space<vmem>>) target_semaphore(%run_scoped3A : memref<!tpu.dma_semaphore, #tpu.memory_space<semaphore_mem>>)
        %dma_wait3A_162 = tpu.memref_slice %arg3[%select_n3A, %select_n3A_30, %mul3A_119] : memref<2x16x2048xf32, #tpu.memory_space<hbm>> -> memref<1x1x256xf32, #tpu.memory_space<hbm>>
        %dma_wait3A_163 = tpu.memref_squeeze %dma_wait3A_162 : memref<1x1x256xf32, #tpu.memory_space<hbm>> -> memref<256xf32, #tpu.memory_space<hbm>>
        %dma_wait3A_164 = tpu.memref_slice %arg3[%select_n3A, %select_n3A_30, %mul3A_119] : memref<2x16x2048xf32, #tpu.memory_space<hbm>> -> memref<1x1x256xf32, #tpu.memory_space<hbm>>
        %dma_wait3A_165 = tpu.memref_squeeze %dma_wait3A_164 : memref<1x1x256xf32, #tpu.memory_space<hbm>> -> memref<256xf32, #tpu.memory_space<hbm>>
        tpu.wait_dma2 semaphore(%run_scoped3A : memref<!tpu.dma_semaphore, #tpu.memory_space<semaphore_mem>>) src(%dma_wait3A_165 : memref<256xf32, #tpu.memory_space<hbm>>) dst(%arg10 : memref<256xf32, #tpu.memory_space<vmem>>)
        tpu.yield
      }) : () -> ()
      "tpu.region"() ({
        %run_scoped3A = tpu.sem_alloc : memref<!tpu.dma_semaphore, #tpu.memory_space<semaphore_mem>>
        %dma_start3A_158 = tpu.memref_slice %arg4[%select_n3A, %select_n3A_30, %mul3A_119] : memref<2x16x2048xf32, #tpu.memory_space<hbm>> -> memref<1x1x256xf32, #tpu.memory_space<hbm>>
        %dma_start3A_159 = tpu.memref_squeeze %dma_start3A_158 : memref<1x1x256xf32, #tpu.memory_space<hbm>> -> memref<256xf32, #tpu.memory_space<hbm>>
        %dma_start3A_160 = tpu.memref_slice %arg4[%select_n3A, %select_n3A_30, %mul3A_119] : memref<2x16x2048xf32, #tpu.memory_space<hbm>> -> memref<1x1x256xf32, #tpu.memory_space<hbm>>
        %dma_start3A_161 = tpu.memref_squeeze %dma_start3A_160 : memref<1x1x256xf32, #tpu.memory_space<hbm>> -> memref<256xf32, #tpu.memory_space<hbm>>
        tpu.enqueue_dma source(%dma_start3A_161 : memref<256xf32, #tpu.memory_space<hbm>>) target(%arg11 : memref<256xf32, #tpu.memory_space<vmem>>) target_semaphore(%run_scoped3A : memref<!tpu.dma_semaphore, #tpu.memory_space<semaphore_mem>>)
        %dma_wait3A_162 = tpu.memref_slice %arg4[%select_n3A, %select_n3A_30, %mul3A_119] : memref<2x16x2048xf32, #tpu.memory_space<hbm>> -> memref<1x1x256xf32, #tpu.memory_space<hbm>>
        %dma_wait3A_163 = tpu.memref_squeeze %dma_wait3A_162 : memref<1x1x256xf32, #tpu.memory_space<hbm>> -> memref<256xf32, #tpu.memory_space<hbm>>
        %dma_wait3A_164 = tpu.memref_slice %arg4[%select_n3A, %select_n3A_30, %mul3A_119] : memref<2x16x2048xf32, #tpu.memory_space<hbm>> -> memref<1x1x256xf32, #tpu.memory_space<hbm>>
        %dma_wait3A_165 = tpu.memref_squeeze %dma_wait3A_164 : memref<1x1x256xf32, #tpu.memory_space<hbm>> -> memref<256xf32, #tpu.memory_space<hbm>>
        tpu.wait_dma2 semaphore(%run_scoped3A : memref<!tpu.dma_semaphore, #tpu.memory_space<semaphore_mem>>) src(%dma_wait3A_165 : memref<256xf32, #tpu.memory_space<hbm>>) dst(%arg11 : memref<256xf32, #tpu.memory_space<vmem>>)
        tpu.yield
      }) : () -> ()
      %mul3A_126 = arith.constant 256 : i32
      %mul3A_127 = arith.muli %add3A_117, %mul3A_126 : i32
      %sub3A_128 = arith.constant 256 : i32
      %sub3A_129 = arith.subi %mul3A_127, %sub3A_128 : i32
      %jit3A_130 = arith.constant 0 : i32
      %jit3A_131 = arith.constant 1279 : i32
      %max3A_132 = arith.maxsi %jit3A_130, %sub3A_129 : i32
      %min3A_133 = arith.minsi %jit3A_131, %max3A_132 : i32
      %mul3A_134 = arith.constant 64 : i32
      %mul3A_135 = arith.muli %min3A_133, %mul3A_134 : i32
      %dma_wait3A_136 = tpu.memref_slice %arg2[%select_n3A, %select_n3A_30, %mul3A_135] : memref<2x16x131072xf32, #tpu.memory_space<hbm>> -> memref<1x1x49216xf32, #tpu.memory_space<hbm>>
      %dma_wait3A_137 = tpu.memref_squeeze %dma_wait3A_136 : memref<1x1x49216xf32, #tpu.memory_space<hbm>> -> memref<49216xf32, #tpu.memory_space<hbm>>
      %dma_wait3A_138 = tpu.memref_slice %arg2[%select_n3A, %select_n3A_30, %mul3A_135] : memref<2x16x131072xf32, #tpu.memory_space<hbm>> -> memref<1x1x49216xf32, #tpu.memory_space<hbm>>
      %dma_wait3A_139 = tpu.memref_squeeze %dma_wait3A_138 : memref<1x1x49216xf32, #tpu.memory_space<hbm>> -> memref<49216xf32, #tpu.memory_space<hbm>>
      tpu.wait_dma2 semaphore(%arg16 : memref<!tpu.dma_semaphore, #tpu.memory_space<semaphore_mem>>) src(%dma_wait3A_139 : memref<49216xf32, #tpu.memory_space<hbm>>) dst(%arg8 : memref<49216xf32, #tpu.memory_space<vmem>>)
      %gt3A_140 = arith.constant 0 : i32
      %gt3A_141 = arith.cmpi sgt, %add3A_117, %gt3A_140 : i32
      %convert_element_type3A_142 = arith.extui %gt3A_141 : i1 to i32
      %cond3A_143 = arith.constant 0 : i32
      %cond3A_144 = arith.cmpi ne, %convert_element_type3A_142, %cond3A_143 : i32
      scf.if %cond3A_144 {
        %sub3A_158 = arith.constant 1 : i32
        %sub3A_159 = arith.subi %add3A_117, %sub3A_158 : i32
        %dma_wait3A_160 = arith.constant 0 : i32
        %dma_wait3A_161 = arith.constant 0 : i32
        %dma_wait3A_162 = tpu.memref_slice %arg6[%select_n3A, %select_n3A_30, %sub3A_159, %dma_wait3A_160, %dma_wait3A_161] : memref<2x16x8x256x64xf32, #tpu.memory_space<hbm>> -> memref<1x1x1x256x64xf32, #tpu.memory_space<hbm>>
        %dma_wait3A_163 = tpu.memref_squeeze %dma_wait3A_162 : memref<1x1x1x256x64xf32, #tpu.memory_space<hbm>> -> memref<256x64xf32, #tpu.memory_space<hbm>>
        %dma_wait3A_164 = arith.constant 0 : i32
        %dma_wait3A_165 = arith.constant 0 : i32
        %dma_wait3A_166 = tpu.memref_slice %arg6[%select_n3A, %select_n3A_30, %sub3A_159, %dma_wait3A_164, %dma_wait3A_165] : memref<2x16x8x256x64xf32, #tpu.memory_space<hbm>> -> memref<1x1x1x256x64xf32, #tpu.memory_space<hbm>>
        %dma_wait3A_167 = tpu.memref_squeeze %dma_wait3A_166 : memref<1x1x1x256x64xf32, #tpu.memory_space<hbm>> -> memref<256x64xf32, #tpu.memory_space<hbm>>
        tpu.wait_dma2 semaphore(%arg17 : memref<!tpu.dma_semaphore, #tpu.memory_space<semaphore_mem>>) src(%arg12 : memref<256x64xf32, #tpu.memory_space<vmem>>) dst(%dma_wait3A_167 : memref<256x64xf32, #tpu.memory_space<hbm>>)
      } else {
      }
      %scan3A_145 = arith.constant 0 : i32
      %scan3A_146 = arith.constant 16 : i32
      %scan3A_147 = arith.addi %scan3A_145, %scan3A_146 : i32
      %scan3A_148 = arith.constant 1 : i32
      scf.for %scan3A_158 = %scan3A_145 to %scan3A_147 step %scan3A_148  : i32 {
        %mul3A_159 = arith.constant 16 : i32
        %mul3A_160 = arith.muli %scan3A_158, %mul3A_159 : i32
        %add3A_161 = arith.constant 0 : i32
        %add3A_162 = arith.addi %add3A_161, %mul3A_160 : i32
        %get3A = arith.index_cast %add3A_162 : i32 to index
        %get3A_163 = tpu.vector_load %arg10[%get3A] {strides = array<i32>} : memref<256xf32, #tpu.memory_space<vmem>>, vector<16xf32>,
        %get3A_164 = arith.index_cast %add3A_162 : i32 to index
        %get3A_165 = tpu.vector_load %arg11[%get3A_164] {strides = array<i32>} : memref<256xf32, #tpu.memory_space<vmem>>, vector<16xf32>,
        %add3A_166 = arith.addi %mul3A_119, %add3A_162 : i32
        %iota3A = tpu.iota {dimensions = array<i32: 0>} : vector<16xi32>
        %add3A_167 = vector.broadcast %add3A_166 : i32 to vector<16xi32>
        %add3A_168 = arith.addi %add3A_167, %iota3A : vector<16xi32>
        %convert_element_type3A_169 = arith.sitofp %add3A_168 : vector<16xi32> to vector<16xf32>
        %parallel_loop3A = arith.constant 0 : i32
        %parallel_loop3A_170 = arith.constant 33 : i32
        %parallel_loop3A_171 = arith.constant 1 : i32
        scf.for %parallel_loop3A_197 = %parallel_loop3A to %parallel_loop3A_170 step %parallel_loop3A_171  : i32 {
          %parallel_loop3A_198 = arith.constant 256 : i32
          %parallel_loop3A_199 = arith.muli %parallel_loop3A_197, %parallel_loop3A_198 : i32
          %parallel_loop3A_200 = arith.addi %parallel_loop3A_199, %add3A_162 : i32
          %parallel_loop3A_201 = arith.index_cast %parallel_loop3A_200 : i32 to index
          %parallel_loop3A_202 = tpu.vector_load %arg9[%parallel_loop3A_201] {strides = array<i32>} : memref<8448xf32, #tpu.memory_space<vmem>>, vector<16xf32>,
          %parallel_loop3A_203 = arith.constant 16 : i32
          %parallel_loop3A_204 = arith.subi %parallel_loop3A_197, %parallel_loop3A_203 : i32
          %parallel_loop3A_205 = arith.sitofp %parallel_loop3A_204 : i32 to f32
          %parallel_loop3A_206 = vector.broadcast %parallel_loop3A_205 : f32 to vector<16xf32>
          %parallel_loop3A_207 = arith.mulf %parallel_loop3A_206, %get3A_163 : vector<16xf32>
          %parallel_loop3A_208 = arith.addf %parallel_loop3A_207, %get3A_165 : vector<16xf32>
          %parallel_loop3A_209 = arith.constant -2.560000e+02 : f32
          %parallel_loop3A_210 = arith.constant 2.560000e+02 : f32
          %parallel_loop3A_211 = vector.broadcast %parallel_loop3A_209 : f32 to vector<16xf32>
          %parallel_loop3A_212 = arith.maximumf %parallel_loop3A_211, %parallel_loop3A_208 : vector<16xf32>
          %parallel_loop3A_213 = vector.broadcast %parallel_loop3A_210 : f32 to vector<16xf32>
          %parallel_loop3A_214 = arith.minimumf %parallel_loop3A_213, %parallel_loop3A_212 : vector<16xf32>
          %parallel_loop3A_215 = arith.addf %convert_element_type3A_169, %parallel_loop3A_214 : vector<16xf32>
          %parallel_loop3A_216 = arith.fptosi %parallel_loop3A_215 : vector<16xf32> to vector<16xi32>
          %parallel_loop3A_217 = arith.sitofp %parallel_loop3A_216 : vector<16xi32> to vector<16xf32>
          %parallel_loop3A_218 = arith.cmpf ogt, %parallel_loop3A_217, %parallel_loop3A_215 : vector<16xf32>
          %parallel_loop3A_219 = arith.constant 1 : i32
          %parallel_loop3A_220 = vector.broadcast %parallel_loop3A_219 : i32 to vector<16xi32>
          %parallel_loop3A_221 = arith.subi %parallel_loop3A_216, %parallel_loop3A_220 : vector<16xi32>
          %parallel_loop3A_222 = arith.select %parallel_loop3A_218, %parallel_loop3A_221, %parallel_loop3A_216 : vector<16xi1>, vector<16xi32>
          %parallel_loop3A_223 = arith.sitofp %parallel_loop3A_222 : vector<16xi32> to vector<16xf32>
          %parallel_loop3A_224 = arith.subf %parallel_loop3A_215, %parallel_loop3A_223 : vector<16xf32>
          %parallel_loop3A_225 = arith.constant 0 : i32
          %parallel_loop3A_226 = arith.constant 2047 : i32
          %parallel_loop3A_227 = vector.broadcast %parallel_loop3A_225 : i32 to vector<16xi32>
          %parallel_loop3A_228 = arith.maxsi %parallel_loop3A_227, %parallel_loop3A_222 : vector<16xi32>
          %parallel_loop3A_229 = vector.broadcast %parallel_loop3A_226 : i32 to vector<16xi32>
          %parallel_loop3A_230 = arith.minsi %parallel_loop3A_229, %parallel_loop3A_228 : vector<16xi32>
          %parallel_loop3A_231 = vector.broadcast %min3A_125 : i32 to vector<16xi32>
          %parallel_loop3A_232 = arith.subi %parallel_loop3A_230, %parallel_loop3A_231 : vector<16xi32>
          %parallel_loop3A_233 = arith.constant 64 : i32
          %parallel_loop3A_234 = vector.broadcast %parallel_loop3A_233 : i32 to vector<16xi32>
          %parallel_loop3A_235 = arith.muli %parallel_loop3A_232, %parallel_loop3A_234 : vector<16xi32>
          %parallel_loop3A_236 = arith.constant 16 : i32
          %parallel_loop3A_237 = arith.muli %parallel_loop3A_197, %parallel_loop3A_236 : i32
          %parallel_loop3A_238 = arith.index_cast %parallel_loop3A_237 : i32 to index
          %parallel_loop3A_239 = tpu.vector_load %arg13[%parallel_loop3A_238] {strides = array<i32>} : memref<528xi32, #tpu.memory_space<vmem>>, vector<16xi32>,
          tpu.vector_store %arg13[%parallel_loop3A_238], %parallel_loop3A_235 {strides = array<i32>} : memref<528xi32, #tpu.memory_space<vmem>>, vector<16xi32>,
          %parallel_loop3A_240 = arith.mulf %parallel_loop3A_202, %parallel_loop3A_224 : vector<16xf32>
          %parallel_loop3A_241 = arith.subf %parallel_loop3A_202, %parallel_loop3A_240 : vector<16xf32>
          %parallel_loop3A_242 = arith.constant 16 : i32
          %parallel_loop3A_243 = arith.muli %parallel_loop3A_197, %parallel_loop3A_242 : i32
          %parallel_loop3A_244 = arith.index_cast %parallel_loop3A_243 : i32 to index
          %parallel_loop3A_245 = tpu.vector_load %arg14[%parallel_loop3A_244] {strides = array<i32>} : memref<1056xf32, #tpu.memory_space<vmem>>, vector<16xf32>,
          tpu.vector_store %arg14[%parallel_loop3A_244], %parallel_loop3A_241 {strides = array<i32>} : memref<1056xf32, #tpu.memory_space<vmem>>, vector<16xf32>,
          %parallel_loop3A_246 = arith.constant 33 : i32
          %parallel_loop3A_247 = arith.addi %parallel_loop3A_246, %parallel_loop3A_197 : i32
          %parallel_loop3A_248 = arith.constant 16 : i32
          %parallel_loop3A_249 = arith.muli %parallel_loop3A_247, %parallel_loop3A_248 : i32
          %parallel_loop3A_250 = arith.index_cast %parallel_loop3A_249 : i32 to index
          %parallel_loop3A_251 = tpu.vector_load %arg14[%parallel_loop3A_250] {strides = array<i32>} : memref<1056xf32, #tpu.memory_space<vmem>>, vector<16xf32>,
          tpu.vector_store %arg14[%parallel_loop3A_250], %parallel_loop3A_240 {strides = array<i32>} : memref<1056xf32, #tpu.memory_space<vmem>>, vector<16xf32>,
        } {sc.loop_unroll_factor = 1 : i64, sc.parallel_access}
        %iota3A_172 = tpu.iota {dimensions = array<i32: 0>} : vector<16xi32>
        %add3A_173 = arith.constant 0 : i32
        %add3A_174 = vector.broadcast %add3A_173 : i32 to vector<16xi32>
        %add3A_175 = arith.addi %iota3A_172, %add3A_174 : vector<16xi32>
        %iota3A_176 = tpu.iota {dimensions = array<i32: 0>} : vector<16xi32>
        %add3A_177 = arith.constant 16 : i32
        %add3A_178 = vector.broadcast %add3A_177 : i32 to vector<16xi32>
        %add3A_179 = arith.addi %iota3A_176, %add3A_178 : vector<16xi32>
        %iota3A_180 = tpu.iota {dimensions = array<i32: 0>} : vector<16xi32>
        %add3A_181 = arith.constant 32 : i32
        %add3A_182 = vector.broadcast %add3A_181 : i32 to vector<16xi32>
        %add3A_183 = arith.addi %iota3A_180, %add3A_182 : vector<16xi32>
        %iota3A_184 = tpu.iota {dimensions = array<i32: 0>} : vector<16xi32>
        %add3A_185 = arith.constant 48 : i32
        %add3A_186 = vector.broadcast %add3A_185 : i32 to vector<16xi32>
        %add3A_187 = arith.addi %iota3A_184, %add3A_186 : vector<16xi32>
        %sub3A_188 = arith.constant 2047 : i32
        %sub3A_189 = arith.subi %sub3A_188, %min3A_125 : i32
        %mul3A_190 = arith.constant 64 : i32
        %mul3A_191 = arith.muli %sub3A_189, %mul3A_190 : i32
        %broadcast_in_dim3A = vector.broadcast %mul3A_191 : i32 to vector<16xi32>
        %scan3A_192 = arith.constant 0 : i32
        %scan3A_193 = arith.constant 16 : i32
        %scan3A_194 = arith.addi %scan3A_192, %scan3A_193 : i32
        %scan3A_195 = arith.constant 1 : i32
        scf.for %scan3A_197 = %scan3A_192 to %scan3A_194 step %scan3A_195  : i32 {
          %mul3A_198 = arith.constant 1 : i32
          %mul3A_199 = arith.muli %scan3A_197, %mul3A_198 : i32
          %add3A_200 = arith.constant 0 : i32
          %add3A_201 = arith.addi %add3A_200, %mul3A_199 : i32
          %broadcast_in_dim3A_202 = arith.constant 0.000000e+00 : f32
          %broadcast_in_dim3A_203 = vector.broadcast %broadcast_in_dim3A_202 : f32 to vector<16xf32>
          %parallel_loop3A_204 = arith.constant 0 : i32
          %parallel_loop3A_205 = arith.constant 33 : i32
          %parallel_loop3A_206 = arith.constant 1 : i32
          %parallel_loop3A_207:4 = scf.for %parallel_loop3A_223 = %parallel_loop3A_204 to %parallel_loop3A_205 step %parallel_loop3A_206 iter_args(%parallel_loop3A_224 = %broadcast_in_dim3A_203, %parallel_loop3A_225 = %broadcast_in_dim3A_203, %parallel_loop3A_226 = %broadcast_in_dim3A_203, %parallel_loop3A_227 = %broadcast_in_dim3A_203) -> (vector<16xf32>, vector<16xf32>, vector<16xf32>, vector<16xf32>)  : i32 {
            %parallel_loop3A_228 = arith.constant 16 : i32
            %parallel_loop3A_229 = arith.muli %parallel_loop3A_223, %parallel_loop3A_228 : i32
            %parallel_loop3A_230 = arith.addi %parallel_loop3A_229, %add3A_201 : i32
            %parallel_loop3A_231 = vector.broadcast %parallel_loop3A_230 : i32 to vector<16xi32>
            %parallel_loop3A_232 = tpu.vector_load_idx %arg13[%parallel_loop3A_231] : memref<528xi32, #tpu.memory_space<vmem>>[vector<16xi32>], vector<16xi32>,
            %parallel_loop3A_233 = arith.constant 64 : i32
            %parallel_loop3A_234 = vector.broadcast %parallel_loop3A_233 : i32 to vector<16xi32>
            %parallel_loop3A_235 = arith.addi %parallel_loop3A_232, %parallel_loop3A_234 : vector<16xi32>
            %parallel_loop3A_236 = arith.minsi %parallel_loop3A_235, %broadcast_in_dim3A : vector<16xi32>
            %parallel_loop3A_237 = tpu.vector_load_idx %arg14[%parallel_loop3A_231] : memref<1056xf32, #tpu.memory_space<vmem>>[vector<16xi32>], vector<16xf32>,
            %parallel_loop3A_238 = arith.constant 528 : i32
            %parallel_loop3A_239 = vector.broadcast %parallel_loop3A_238 : i32 to vector<16xi32>
            %parallel_loop3A_240 = arith.addi %parallel_loop3A_231, %parallel_loop3A_239 : vector<16xi32>
            %parallel_loop3A_241 = tpu.vector_load_idx %arg14[%parallel_loop3A_240] : memref<1056xf32, #tpu.memory_space<vmem>>[vector<16xi32>], vector<16xf32>,
            %parallel_loop3A_242 = arith.addi %parallel_loop3A_232, %add3A_175 : vector<16xi32>
            %parallel_loop3A_243 = tpu.vector_load_idx %arg8[%parallel_loop3A_242] : memref<49216xf32, #tpu.memory_space<vmem>>[vector<16xi32>], vector<16xf32>,
            %parallel_loop3A_244 = arith.addi %parallel_loop3A_236, %add3A_175 : vector<16xi32>
            %parallel_loop3A_245 = tpu.vector_load_idx %arg8[%parallel_loop3A_244] : memref<49216xf32, #tpu.memory_space<vmem>>[vector<16xi32>], vector<16xf32>,
            %parallel_loop3A_246 = arith.mulf %parallel_loop3A_237, %parallel_loop3A_243 : vector<16xf32>
            %parallel_loop3A_247 = arith.mulf %parallel_loop3A_241, %parallel_loop3A_245 : vector<16xf32>
            %parallel_loop3A_248 = arith.addf %parallel_loop3A_246, %parallel_loop3A_247 : vector<16xf32>
            %parallel_loop3A_249 = arith.addf %parallel_loop3A_224, %parallel_loop3A_248 : vector<16xf32>
            %parallel_loop3A_250 = arith.addi %parallel_loop3A_232, %add3A_179 : vector<16xi32>
            %parallel_loop3A_251 = tpu.vector_load_idx %arg8[%parallel_loop3A_250] : memref<49216xf32, #tpu.memory_space<vmem>>[vector<16xi32>], vector<16xf32>,
            %parallel_loop3A_252 = arith.addi %parallel_loop3A_236, %add3A_179 : vector<16xi32>
            %parallel_loop3A_253 = tpu.vector_load_idx %arg8[%parallel_loop3A_252] : memref<49216xf32, #tpu.memory_space<vmem>>[vector<16xi32>], vector<16xf32>,
            %parallel_loop3A_254 = arith.mulf %parallel_loop3A_237, %parallel_loop3A_251 : vector<16xf32>
            %parallel_loop3A_255 = arith.mulf %parallel_loop3A_241, %parallel_loop3A_253 : vector<16xf32>
            %parallel_loop3A_256 = arith.addf %parallel_loop3A_254, %parallel_loop3A_255 : vector<16xf32>
            %parallel_loop3A_257 = arith.addf %parallel_loop3A_225, %parallel_loop3A_256 : vector<16xf32>
            %parallel_loop3A_258 = arith.addi %parallel_loop3A_232, %add3A_183 : vector<16xi32>
            %parallel_loop3A_259 = tpu.vector_load_idx %arg8[%parallel_loop3A_258] : memref<49216xf32, #tpu.memory_space<vmem>>[vector<16xi32>], vector<16xf32>,
            %parallel_loop3A_260 = arith.addi %parallel_loop3A_236, %add3A_183 : vector<16xi32>
            %parallel_loop3A_261 = tpu.vector_load_idx %arg8[%parallel_loop3A_260] : memref<49216xf32, #tpu.memory_space<vmem>>[vector<16xi32>], vector<16xf32>,
            %parallel_loop3A_262 = arith.mulf %parallel_loop3A_237, %parallel_loop3A_259 : vector<16xf32>
            %parallel_loop3A_263 = arith.mulf %parallel_loop3A_241, %parallel_loop3A_261 : vector<16xf32>
            %parallel_loop3A_264 = arith.addf %parallel_loop3A_262, %parallel_loop3A_263 : vector<16xf32>
            %parallel_loop3A_265 = arith.addf %parallel_loop3A_226, %parallel_loop3A_264 : vector<16xf32>
            %parallel_loop3A_266 = arith.addi %parallel_loop3A_232, %add3A_187 : vector<16xi32>
            %parallel_loop3A_267 = tpu.vector_load_idx %arg8[%parallel_loop3A_266] : memref<49216xf32, #tpu.memory_space<vmem>>[vector<16xi32>], vector<16xf32>,
            %parallel_loop3A_268 = arith.addi %parallel_loop3A_236, %add3A_187 : vector<16xi32>
            %parallel_loop3A_269 = tpu.vector_load_idx %arg8[%parallel_loop3A_268] : memref<49216xf32, #tpu.memory_space<vmem>>[vector<16xi32>], vector<16xf32>,
            %parallel_loop3A_270 = arith.mulf %parallel_loop3A_237, %parallel_loop3A_267 : vector<16xf32>
            %parallel_loop3A_271 = arith.mulf %parallel_loop3A_241, %parallel_loop3A_269 : vector<16xf32>
            %parallel_loop3A_272 = arith.addf %parallel_loop3A_270, %parallel_loop3A_271 : vector<16xf32>
            %parallel_loop3A_273 = arith.addf %parallel_loop3A_227, %parallel_loop3A_272 : vector<16xf32>
            scf.yield %parallel_loop3A_249, %parallel_loop3A_257, %parallel_loop3A_265, %parallel_loop3A_273 : vector<16xf32>, vector<16xf32>, vector<16xf32>, vector<16xf32>
          } {sc.loop_unroll_factor = 3 : i64, sc.parallel_access}
          %add3A_208 = arith.addi %add3A_162, %add3A_201 : i32
          %swap3A = arith.index_cast %add3A_208 : i32 to index
          %swap3A_209 = arith.constant 0 : index
          %swap3A_210 = tpu.vector_load %arg12[%swap3A, %swap3A_209] {strides = array<i32>} : memref<256x64xf32, #tpu.memory_space<vmem>>, vector<16xf32>,
          tpu.vector_store %arg12[%swap3A, %swap3A_209], %parallel_loop3A_207#0 {strides = array<i32>} : memref<256x64xf32, #tpu.memory_space<vmem>>, vector<16xf32>,
          %add3A_211 = arith.addi %add3A_162, %add3A_201 : i32
          %swap3A_212 = arith.index_cast %add3A_211 : i32 to index
          %swap3A_213 = arith.constant 16 : index
          %swap3A_214 = tpu.vector_load %arg12[%swap3A_212, %swap3A_213] {strides = array<i32>} : memref<256x64xf32, #tpu.memory_space<vmem>>, vector<16xf32>,
          tpu.vector_store %arg12[%swap3A_212, %swap3A_213], %parallel_loop3A_207#1 {strides = array<i32>} : memref<256x64xf32, #tpu.memory_space<vmem>>, vector<16xf32>,
          %add3A_215 = arith.addi %add3A_162, %add3A_201 : i32
          %swap3A_216 = arith.index_cast %add3A_215 : i32 to index
          %swap3A_217 = arith.constant 32 : index
          %swap3A_218 = tpu.vector_load %arg12[%swap3A_216, %swap3A_217] {strides = array<i32>} : memref<256x64xf32, #tpu.memory_space<vmem>>, vector<16xf32>,
          tpu.vector_store %arg12[%swap3A_216, %swap3A_217], %parallel_loop3A_207#2 {strides = array<i32>} : memref<256x64xf32, #tpu.memory_space<vmem>>, vector<16xf32>,
          %add3A_219 = arith.addi %add3A_162, %add3A_201 : i32
          %swap3A_220 = arith.index_cast %add3A_219 : i32 to index
          %swap3A_221 = arith.constant 48 : index
          %swap3A_222 = tpu.vector_load %arg12[%swap3A_220, %swap3A_221] {strides = array<i32>} : memref<256x64xf32, #tpu.memory_space<vmem>>, vector<16xf32>,
          tpu.vector_store %arg12[%swap3A_220, %swap3A_221], %parallel_loop3A_207#3 {strides = array<i32>} : memref<256x64xf32, #tpu.memory_space<vmem>>, vector<16xf32>,
        }
        %scan3A_196 = arith.constant 16 : i32
      }
      %scan3A_149 = arith.constant 16 : i32
      %dma_start3A_150 = arith.constant 0 : i32
      %dma_start3A_151 = arith.constant 0 : i32
      %dma_start3A_152 = tpu.memref_slice %arg6[%select_n3A, %select_n3A_30, %add3A_117, %dma_start3A_150, %dma_start3A_151] : memref<2x16x8x256x64xf32, #tpu.memory_space<hbm>> -> memref<1x1x1x256x64xf32, #tpu.memory_space<hbm>>
      %dma_start3A_153 = tpu.memref_squeeze %dma_start3A_152 : memref<1x1x1x256x64xf32, #tpu.memory_space<hbm>> -> memref<256x64xf32, #tpu.memory_space<hbm>>
      %dma_start3A_154 = arith.constant 0 : i32
      %dma_start3A_155 = arith.constant 0 : i32
      %dma_start3A_156 = tpu.memref_slice %arg6[%select_n3A, %select_n3A_30, %add3A_117, %dma_start3A_154, %dma_start3A_155] : memref<2x16x8x256x64xf32, #tpu.memory_space<hbm>> -> memref<1x1x1x256x64xf32, #tpu.memory_space<hbm>>
      %dma_start3A_157 = tpu.memref_squeeze %dma_start3A_156 : memref<1x1x1x256x64xf32, #tpu.memory_space<hbm>> -> memref<256x64xf32, #tpu.memory_space<hbm>>
      tpu.enqueue_dma source(%arg12 : memref<256x64xf32, #tpu.memory_space<vmem>>) target(%dma_start3A_157 : memref<256x64xf32, #tpu.memory_space<hbm>>) target_semaphore(%arg17 : memref<!tpu.dma_semaphore, #tpu.memory_space<semaphore_mem>>)
    }
    %scan3A_42 = arith.constant 4 : i32
    %dma_wait3A = arith.constant 7 : i32
    %dma_wait3A_43 = arith.constant 0 : i32
    %dma_wait3A_44 = arith.constant 0 : i32
    %dma_wait3A_45 = tpu.memref_slice %arg6[%select_n3A, %select_n3A_30, %dma_wait3A, %dma_wait3A_43, %dma_wait3A_44] : memref<2x16x8x256x64xf32, #tpu.memory_space<hbm>> -> memref<1x1x1x256x64xf32, #tpu.memory_space<hbm>>
    %dma_wait3A_46 = tpu.memref_squeeze %dma_wait3A_45 : memref<1x1x1x256x64xf32, #tpu.memory_space<hbm>> -> memref<256x64xf32, #tpu.memory_space<hbm>>
    %dma_wait3A_47 = arith.constant 0 : i32
    %dma_wait3A_48 = arith.constant 0 : i32
    %dma_wait3A_49 = tpu.memref_slice %arg6[%select_n3A, %select_n3A_30, %dma_wait3A, %dma_wait3A_47, %dma_wait3A_48] : memref<2x16x8x256x64xf32, #tpu.memory_space<hbm>> -> memref<1x1x1x256x64xf32, #tpu.memory_space<hbm>>
    %dma_wait3A_50 = tpu.memref_squeeze %dma_wait3A_49 : memref<1x1x1x256x64xf32, #tpu.memory_space<hbm>> -> memref<256x64xf32, #tpu.memory_space<hbm>>
    tpu.wait_dma2 semaphore(%arg17 : memref<!tpu.dma_semaphore, #tpu.memory_space<semaphore_mem>>) src(%arg12 : memref<256x64xf32, #tpu.memory_space<vmem>>) dst(%dma_wait3A_50 : memref<256x64xf32, #tpu.memory_space<hbm>>)
    return
  }
}

module attributes {stable_mosaic.version = 14 : i64} {
  func.func @_proj_body(%arg0: i32, %arg1: i32, %arg2: memref<1x512x1024xf32, #tpu.memory_space<vmem>>, %arg3: memref<1024x32xbf16, #tpu.memory_space<vmem>>, %arg4: memref<1x32xf32, #tpu.memory_space<vmem>>, %arg5: memref<1024x528xbf16, #tpu.memory_space<vmem>>, %arg6: memref<1x528xf32, #tpu.memory_space<vmem>>, %arg7: memref<1x512x32xf32, #tpu.memory_space<vmem>>, %arg8: memref<1x512x528xf32, #tpu.memory_space<vmem>>) attributes {dimension_semantics = [#tpu.dimension_semantics<arbitrary>, #tpu.dimension_semantics<arbitrary>], iteration_bounds = array<i64: 2, 4>, scalar_prefetch = 0 : i64, scratch_operands = 0 : i64, tpu.core_type = #tpu.core_type<tc>, window_params = [{transform_indices = @transform_0, window_bounds = array<i64: 1, 512, 1024>}, {pipeline_mode = #tpu.pipeline_mode<synchronous>, transform_indices = @transform_1, window_bounds = array<i64: 1024, 32>}, {pipeline_mode = #tpu.pipeline_mode<synchronous>, transform_indices = @transform_2, window_bounds = array<i64: 1, 32>}, {pipeline_mode = #tpu.pipeline_mode<synchronous>, transform_indices = @transform_3, window_bounds = array<i64: 1024, 528>}, {pipeline_mode = #tpu.pipeline_mode<synchronous>, transform_indices = @transform_4, window_bounds = array<i64: 1, 528>}, {transform_indices = @transform_5, window_bounds = array<i64: 1, 512, 32>}, {transform_indices = @transform_6, window_bounds = array<i64: 1, 512, 528>}]} {
    %get3A = arith.constant 0 : index
    %get3A_0 = arith.constant 0 : index
    %get3A_1 = arith.constant 0 : index
    %get3A_2 = vector.load %arg2[%get3A, %get3A_0, %get3A_1] : memref<1x512x1024xf32, #tpu.memory_space<vmem>>, vector<1x512x1024xf32>
    %get3A_3 = vector.shape_cast %get3A_2 : vector<1x512x1024xf32> to vector<512x1024xf32>
    %convert_element_type3A = arith.truncf %get3A_3 : vector<512x1024xf32> to vector<512x1024xbf16>
    %get3A_4 = arith.constant 0 : index
    %get3A_5 = arith.constant 0 : index
    %get3A_6 = vector.load %arg3[%get3A_4, %get3A_5] : memref<1024x32xbf16, #tpu.memory_space<vmem>>, vector<1024x32xbf16>
    %dot_general3A = arith.constant dense<0.000000e+00> : vector<512x32xf32>
    %dot_general3A_7 = tpu.matmul %convert_element_type3A, %get3A_6, %dot_general3A {dimension_numbers = #tpu.dot_dimension_numbers<[1], [0], [0], [1], [0, 0, 1, 1], [], []>, transpose_lhs_hint = false} : vector<512x1024xbf16>, vector<1024x32xbf16>, vector<512x32xf32> -> vector<512x32xf32>
    %get3A_8 = arith.constant 0 : index
    %get3A_9 = arith.constant 0 : index
    %get3A_10 = vector.load %arg4[%get3A_8, %get3A_9] : memref<1x32xf32, #tpu.memory_space<vmem>>, vector<1x32xf32>
    %add3A = vector.broadcast %get3A_10 : vector<1x32xf32> to vector<512x32xf32>
    %add3A_11 = arith.addf %dot_general3A_7, %add3A : vector<512x32xf32>
    %logistic3A = arith.negf %add3A_11 : vector<512x32xf32>
    %logistic3A_12 = math.exp %logistic3A : vector<512x32xf32>
    %logistic3A_13 = arith.constant 1.000000e+00 : f32
    %logistic3A_14 = vector.broadcast %logistic3A_13 : f32 to vector<512x32xf32>
    %logistic3A_15 = arith.addf %logistic3A_14, %logistic3A_12 : vector<512x32xf32>
    %logistic3A_16 = arith.divf %logistic3A_14, %logistic3A_15 : vector<512x32xf32>
    %mul3A = arith.mulf %add3A_11, %logistic3A_16 : vector<512x32xf32>
    %slice3A = vector.extract_strided_slice %mul3A {offsets = [0, 0], sizes = [512, 16], strides = [1, 1]} : vector<512x32xf32> to vector<512x16xf32>
    %logistic3A_17 = arith.negf %slice3A : vector<512x16xf32>
    %logistic3A_18 = math.exp %logistic3A_17 : vector<512x16xf32>
    %logistic3A_19 = arith.constant 1.000000e+00 : f32
    %logistic3A_20 = vector.broadcast %logistic3A_19 : f32 to vector<512x16xf32>
    %logistic3A_21 = arith.addf %logistic3A_20, %logistic3A_18 : vector<512x16xf32>
    %logistic3A_22 = arith.divf %logistic3A_20, %logistic3A_21 : vector<512x16xf32>
    %mul3A_23 = arith.constant 1.500000e+01 : f32
    %mul3A_24 = vector.broadcast %mul3A_23 : f32 to vector<512x16xf32>
    %mul3A_25 = arith.mulf %logistic3A_22, %mul3A_24 : vector<512x16xf32>
    %add3A_26 = arith.constant 1.000000e+00 : f32
    %add3A_27 = vector.broadcast %add3A_26 : f32 to vector<512x16xf32>
    %add3A_28 = arith.addf %mul3A_25, %add3A_27 : vector<512x16xf32>
    %slice3A_29 = vector.extract_strided_slice %mul3A {offsets = [0, 16], sizes = [512, 16], strides = [1, 1]} : vector<512x32xf32> to vector<512x16xf32>
    %tanh3A = math.tanh %slice3A_29 : vector<512x16xf32>
    %mul3A_30 = arith.constant 1.600000e+01 : f32
    %mul3A_31 = vector.broadcast %mul3A_30 : f32 to vector<512x16xf32>
    %mul3A_32 = arith.mulf %tanh3A, %mul3A_31 : vector<512x16xf32>
    %swap3A = arith.constant 0 : index
    %swap3A_33 = arith.constant 0 : index
    %swap3A_34 = arith.constant 0 : index
    %swap3A_35 = vector.load %arg7[%swap3A, %swap3A_33, %swap3A_34] : memref<1x512x32xf32, #tpu.memory_space<vmem>>, vector<1x512x16xf32>
    %swap3A_36 = vector.shape_cast %swap3A_35 : vector<1x512x16xf32> to vector<512x16xf32>
    %swap3A_37 = vector.shape_cast %add3A_28 : vector<512x16xf32> to vector<1x512x16xf32>
    tpu.vector_store %arg7[%swap3A, %swap3A_33, %swap3A_34], %swap3A_37 {strides = array<i32>} : memref<1x512x32xf32, #tpu.memory_space<vmem>>, vector<1x512x16xf32>,
    %swap3A_38 = arith.constant 0 : index
    %swap3A_39 = arith.constant 0 : index
    %swap3A_40 = arith.constant 16 : index
    %swap3A_41 = vector.load %arg7[%swap3A_38, %swap3A_39, %swap3A_40] : memref<1x512x32xf32, #tpu.memory_space<vmem>>, vector<1x512x16xf32>
    %swap3A_42 = vector.shape_cast %swap3A_41 : vector<1x512x16xf32> to vector<512x16xf32>
    %swap3A_43 = vector.shape_cast %mul3A_32 : vector<512x16xf32> to vector<1x512x16xf32>
    tpu.vector_store %arg7[%swap3A_38, %swap3A_39, %swap3A_40], %swap3A_43 {strides = array<i32>} : memref<1x512x32xf32, #tpu.memory_space<vmem>>, vector<1x512x16xf32>,
    %get3A_44 = arith.constant 0 : index
    %get3A_45 = arith.constant 0 : index
    %get3A_46 = vector.load %arg5[%get3A_44, %get3A_45] : memref<1024x528xbf16, #tpu.memory_space<vmem>>, vector<1024x528xbf16>
    %dot_general3A_47 = arith.constant dense<0.000000e+00> : vector<512x528xf32>
    %dot_general3A_48 = tpu.matmul %convert_element_type3A, %get3A_46, %dot_general3A_47 {dimension_numbers = #tpu.dot_dimension_numbers<[1], [0], [0], [1], [0, 0, 1, 1], [], []>, transpose_lhs_hint = false} : vector<512x1024xbf16>, vector<1024x528xbf16>, vector<512x528xf32> -> vector<512x528xf32>
    %get3A_49 = arith.constant 0 : index
    %get3A_50 = arith.constant 0 : index
    %get3A_51 = vector.load %arg6[%get3A_49, %get3A_50] : memref<1x528xf32, #tpu.memory_space<vmem>>, vector<1x528xf32>
    %add3A_52 = vector.broadcast %get3A_51 : vector<1x528xf32> to vector<512x528xf32>
    %add3A_53 = arith.addf %dot_general3A_48, %add3A_52 : vector<512x528xf32>
    %logistic3A_54 = arith.negf %add3A_53 : vector<512x528xf32>
    %logistic3A_55 = math.exp %logistic3A_54 : vector<512x528xf32>
    %logistic3A_56 = arith.constant 1.000000e+00 : f32
    %logistic3A_57 = vector.broadcast %logistic3A_56 : f32 to vector<512x528xf32>
    %logistic3A_58 = arith.addf %logistic3A_57, %logistic3A_55 : vector<512x528xf32>
    %logistic3A_59 = arith.divf %logistic3A_57, %logistic3A_58 : vector<512x528xf32>
    %mul3A_60 = arith.mulf %add3A_53, %logistic3A_59 : vector<512x528xf32>
    %swap3A_61 = arith.constant 0 : index
    %swap3A_62 = arith.constant 0 : index
    %swap3A_63 = arith.constant 0 : index
    %swap3A_64 = vector.load %arg8[%swap3A_61, %swap3A_62, %swap3A_63] : memref<1x512x528xf32, #tpu.memory_space<vmem>>, vector<1x512x528xf32>
    %swap3A_65 = vector.shape_cast %swap3A_64 : vector<1x512x528xf32> to vector<512x528xf32>
    %swap3A_66 = vector.shape_cast %mul3A_60 : vector<512x528xf32> to vector<1x512x528xf32>
    tpu.vector_store %arg8[%swap3A_61, %swap3A_62, %swap3A_63], %swap3A_66 {strides = array<i32>} : memref<1x512x528xf32, #tpu.memory_space<vmem>>, vector<1x512x528xf32>,
    return
  }
  func.func @transform_0(%arg0: i32, %arg1: i32) -> (i32, i32, i32) {
    %c0_i32 = arith.constant 0 : i32
    %c0_i32_0 = arith.constant 0 : i32
    return %arg0, %arg1, %c0_i32 : i32, i32, i32
  }
  func.func @transform_1(%arg0: i32, %arg1: i32) -> (i32, i32) {
    %c0_i32 = arith.constant 0 : i32
    %c0_i32_0 = arith.constant 0 : i32
    %c0_i32_1 = arith.constant 0 : i32
    return %c0_i32, %c0_i32_0 : i32, i32
  }
  func.func @transform_2(%arg0: i32, %arg1: i32) -> (i32, i32) {
    %c0_i32 = arith.constant 0 : i32
    %c0_i32_0 = arith.constant 0 : i32
    %c0_i32_1 = arith.constant 0 : i32
    return %c0_i32, %c0_i32_0 : i32, i32
  }
  func.func @transform_3(%arg0: i32, %arg1: i32) -> (i32, i32) {
    %c0_i32 = arith.constant 0 : i32
    %c0_i32_0 = arith.constant 0 : i32
    %c0_i32_1 = arith.constant 0 : i32
    return %c0_i32, %c0_i32_0 : i32, i32
  }
  func.func @transform_4(%arg0: i32, %arg1: i32) -> (i32, i32) {
    %c0_i32 = arith.constant 0 : i32
    %c0_i32_0 = arith.constant 0 : i32
    %c0_i32_1 = arith.constant 0 : i32
    return %c0_i32, %c0_i32_0 : i32, i32
  }
  func.func @transform_5(%arg0: i32, %arg1: i32) -> (i32, i32, i32) {
    %c0_i32 = arith.constant 0 : i32
    %c0_i32_0 = arith.constant 0 : i32
    return %arg0, %arg1, %c0_i32 : i32, i32, i32
  }
  func.func @transform_6(%arg0: i32, %arg1: i32) -> (i32, i32, i32) {
    %c0_i32 = arith.constant 0 : i32
    %c0_i32_0 = arith.constant 0 : i32
    return %arg0, %arg1, %c0_i32 : i32, i32, i32
  }
}

module attributes {stable_mosaic.version = 14 : i64} {
  func.func @_out_proj_body(%arg0: i32, %arg1: memref<512x1024xf32, #tpu.memory_space<vmem>>, %arg2: memref<1024x1024xbf16, #tpu.memory_space<vmem>>, %arg3: memref<512x1024xf32, #tpu.memory_space<vmem>>) attributes {dimension_semantics = [#tpu.dimension_semantics<arbitrary>], iteration_bounds = array<i64: 8>, scalar_prefetch = 0 : i64, scratch_operands = 0 : i64, tpu.core_type = #tpu.core_type<tc>, window_params = [{transform_indices = @transform_0, window_bounds = array<i64: 512, 1024>}, {pipeline_mode = #tpu.pipeline_mode<synchronous>, transform_indices = @transform_1, window_bounds = array<i64: 1024, 1024>}, {transform_indices = @transform_2, window_bounds = array<i64: 512, 1024>}]} {
    %get3A = arith.constant 0 : index
    %get3A_0 = arith.constant 0 : index
    %get3A_1 = vector.load %arg1[%get3A, %get3A_0] : memref<512x1024xf32, #tpu.memory_space<vmem>>, vector<512x1024xf32>
    %convert_element_type3A = arith.truncf %get3A_1 : vector<512x1024xf32> to vector<512x1024xbf16>
    %get3A_2 = arith.constant 0 : index
    %get3A_3 = arith.constant 0 : index
    %get3A_4 = vector.load %arg2[%get3A_2, %get3A_3] : memref<1024x1024xbf16, #tpu.memory_space<vmem>>, vector<1024x1024xbf16>
    %dot_general3A = arith.constant dense<0.000000e+00> : vector<512x1024xf32>
    %dot_general3A_5 = tpu.matmul %convert_element_type3A, %get3A_4, %dot_general3A {dimension_numbers = #tpu.dot_dimension_numbers<[1], [0], [0], [1], [0, 0, 1, 1], [], []>, transpose_lhs_hint = false} : vector<512x1024xbf16>, vector<1024x1024xbf16>, vector<512x1024xf32> -> vector<512x1024xf32>
    %logistic3A = arith.negf %dot_general3A_5 : vector<512x1024xf32>
    %logistic3A_6 = math.exp %logistic3A : vector<512x1024xf32>
    %logistic3A_7 = arith.constant 1.000000e+00 : f32
    %logistic3A_8 = vector.broadcast %logistic3A_7 : f32 to vector<512x1024xf32>
    %logistic3A_9 = arith.addf %logistic3A_8, %logistic3A_6 : vector<512x1024xf32>
    %logistic3A_10 = arith.divf %logistic3A_8, %logistic3A_9 : vector<512x1024xf32>
    %mul3A = arith.mulf %dot_general3A_5, %logistic3A_10 : vector<512x1024xf32>
    %swap3A = arith.constant 0 : index
    %swap3A_11 = arith.constant 0 : index
    %swap3A_12 = vector.load %arg3[%swap3A, %swap3A_11] : memref<512x1024xf32, #tpu.memory_space<vmem>>, vector<512x1024xf32>
    tpu.vector_store %arg3[%swap3A, %swap3A_11], %mul3A {strides = array<i32>} : memref<512x1024xf32, #tpu.memory_space<vmem>>, vector<512x1024xf32>,
    return
  }
  func.func @transform_0(%arg0: i32) -> (i32, i32) {
    %c0_i32 = arith.constant 0 : i32
    %c0_i32_0 = arith.constant 0 : i32
    return %arg0, %c0_i32 : i32, i32
  }
  func.func @transform_1(%arg0: i32) -> (i32, i32) {
    %c0_i32 = arith.constant 0 : i32
    %c0_i32_0 = arith.constant 0 : i32
    %c0_i32_1 = arith.constant 0 : i32
    return %c0_i32, %c0_i32_0 : i32, i32
  }
  func.func @transform_2(%arg0: i32) -> (i32, i32) {
    %c0_i32 = arith.constant 0 : i32
    %c0_i32_0 = arith.constant 0 : i32
    return %arg0, %c0_i32 : i32, i32
  }
}

</mosaic_0001>

<sc_bundles>
// kernel: kernel.5.cloned.1.call-start
scs
__scs_entry_jumppad:
0x0: {  	(pc) =	sbr.rel $0x88, $3  }
0x1: {  	(tag) =	ssettag $0x0;
	lr =	simm.s32 $0x1  }
0x2: {  	[smem:$0x3F9B] =	sst lr;
	_ =	strace $0xD0000000  }
0x3: {  	_ = 	snop  }
0x4: {  	_ = 	snop  }
0x5: {  	_ = 	snop  }
0x6: {  	_ = 	snop  }
0x7: {  	_ = 	snop  }
__scs_overlays_trampoline_lowered:
0x8: {  	[smem:$0x3FAA] =	sst s0  }
0x9: {  	[smem:$0x3FAB] =	sst s1  }
0xa: {  	[smem:$0x3FAC] =	sst s2  }
0xb: {  	[smem:$0x3FAD] =	sst s3  }
0xc: {  	[smem:$0x3FAE] =	sst s4  }
0xd: {  	[smem:$0x3FAF] =	sst s5  }
0xe: {  	[smem:$0x3FB0] =	sst s6  }
0xf: {  	[smem:$0x3FB1] =	sst s7  }
0x10: {  	[smem:$0x3FB2] =	sst s8  }
0x11: {  	[smem:$0x3FB3] =	sst s9;
	s0 =	simm.s32 @!p0 $0x0  }
0x12: {  	s1 =	sld [smem:$0x3F99];
	s0 =	simm.s32 @p0 $0x1  }
0x13: {  	[smem:$0x3FB4] =	sst s0;
	s0 =	simm.s32 @!p1 $0x0  }
0x14: {  	s2 =	sld [smem:$0x3F98];
	s0 =	simm.s32 @p1 $0x1  }
0x15: {  	[smem:$0x3FB5] =	sst s0;
	s0 =	simm.s32 @!p2 $0x0  }
0x16: {  	s3 =	sld [smem:$0x3FDB];
	s0 =	simm.s32 @p2 $0x1  }
0x17: {  	s4 =	simm.s32 $0x1BF5;
	[smem:$0x3FB7] =	sst s0  }
0x18: {  	s0 =	sld [smem:$0x3F9A];
	_ =	swait.ge [sflag:s4], $0x0  }
0x19: {  	s7 =	sld [smem:$0x3F9B]  }
0x1a: {  	s8 =	sadd.s32 $0xFFFFE003, lr  }
0x1b: {  	s9 =	sadd.s32 $0xFFFFFEF7, lr;
	s5 =	simm.s32 $0xFFFFFFFF;
	p2 =	slt.u32 s8, $0xFFFFF086  }
0x1c: {  	p1 =	slt.u32 s9, $0xF7A;
	s5 =	simm.s32 @!p2 $0x0  }
0x1d: {  	s5 =	simm.s32 @p1 $0x1;
	p0 =	seq.s32 s7, s2  }
0x1e: {  	s7 =	smul.u32 @!p0 $0xF7A, s2;
	p2 =	seq.s32 @!p0 s5, $0x0  }
0x1f: {  	s9 =	smul.u32 $0xF7A, s1;
	s8 =	simm.s32 @!p0 $0x1BF5;
	p2 =	por !p2, p0  }
0x20: {  	[sflag:s8] =	ssyncset.s32 @!p0 $0xFFFFF086;
	s6 =	sadd.s32 @!p0 s3, s7;
	s7 =	simm.s32 @!p0 $0x108  }
0x21: {  	s3 =	sadd.s32 s3, s9;
	s6 =	sadd.s32 @!p0 $0x88, s6;
	s7 =	simm.s32 @p2 $0x1082  }
0x22: {  	[simem:s7], [sflag:s8] =	dma.local @!p0 [hbm:s6], $0xF7A  }
0x23: {  	s9 =	sor.u32 $0xD0000000, s2;
	s6 =	simm.s32 $0x108;
	_ =	swait.ge @!p0 [sflag:s8], $0x0  }
0x24: {  	s3 =	sadd.s32 $0x88, s3;
	s6 =	simm.s32 @!p1 $0x1082;
	[sflag:s4] =	ssyncset.s32 $0xFFFFF086  }
0x25: {  	[simem:s6], [sflag:s4] =	dma.local [hbm:s3], $0xF7A  }
0x26: {  	[smem:$0x3F9B] =	sst s1;
	(tag) =	ssettag s2;
	_ =	strace s9  }
0x27: {  	s1 =	sld [smem:$0x3FAB]  }
0x28: {  	s2 =	sld [smem:$0x3FAC]  }
0x29: {  	s4 =	sld [smem:$0x3FAE]  }
0x2a: {  	p0 =	seq.s32 s5, $0x0;
	s5 =	sld [smem:$0x3FAF]  }
0x2b: {  	s6 =	sld [smem:$0x3FB0]  }
0x2c: {  	s7 =	sld [smem:$0x3FB1]  }
0x2d: {  	s3 =	simm.s32 $0x108;
	s8 =	sld [smem:$0x3FB2]  }
0x2e: {  	s3 =	simm.s32 @!p0 $0x1082;
	s9 =	sld [smem:$0x3FB3]  }
0x2f: {  	lr =	sadd.s32 s0, s3;
	s0 =	sld [smem:$0x3FAA]  }
0x30: {  	s3 =	sld [smem:$0x3FAD]  }
0x31: {  	[smem:$0x3FB6] =	sst s10  }
0x32: {  	s10 =	sld [smem:$0x3FB4];
	_ =	sdelay $0x3  }
0x33: {  	p0 =	seq.s32 s10, $0x1;
	s10 =	sld [smem:$0x3FB6];
	_ =	sdelay $0x3  }
0x34: {  	[smem:$0x3FB6] =	sst s10  }
0x35: {  	s10 =	sld [smem:$0x3FB5];
	_ =	sdelay $0x3  }
0x36: {  	p1 =	seq.s32 s10, $0x1;
	s10 =	sld [smem:$0x3FB6];
	_ =	sdelay $0x3  }
0x37: {  	[smem:$0x3FB6] =	sst s10  }
0x38: {  	s10 =	sld [smem:$0x3FB7]  }
0x39: {  	_ = 	snop;
	(pc) =	sbr.ind lr, $3  }
0x3a: {  	_ = 	snop  }
0x3b: {  	_ = 	snop  }
0x3c: {  	p2 =	seq.s32 s10, $0x1;
	s10 =	sld [smem:$0x3FB6]  }
0x3d: {  	_ =	shalt  }
0x3e: {  	_ =	shalt  }
0x3f: {  	_ =	shalt  }
0x40: {  	_ =	shalt  }
0x41: {  	_ =	shalt  }
0x42: {  	_ =	shalt  }
0x43: {  	_ =	shalt  }
0x44: {  	_ =	shalt  }
0x45: {  	_ =	shalt  }
0x46: {  	_ =	shalt  }
0x47: {  	_ =	shalt  }
0x48: {  	_ =	shalt  }
0x49: {  	_ =	shalt  }
0x4a: {  	_ =	shalt  }
0x4b: {  	_ =	shalt  }
0x4c: {  	_ =	shalt  }
0x4d: {  	_ =	shalt  }
0x4e: {  	_ =	shalt  }
0x4f: {  	_ =	shalt  }
0x50: {  	_ =	shalt  }
0x51: {  	_ =	shalt  }
0x52: {  	_ =	shalt  }
0x53: {  	_ =	shalt  }
0x54: {  	_ =	shalt  }
0x55: {  	_ =	shalt  }
0x56: {  	_ =	shalt  }
0x57: {  	_ =	shalt  }
0x58: {  	_ =	shalt  }
0x59: {  	_ =	shalt  }
0x5a: {  	_ =	shalt  }
0x5b: {  	_ =	shalt  }
0x5c: {  	_ =	shalt  }
0x5d: {  	_ =	shalt  }
0x5e: {  	_ =	shalt  }
0x5f: {  	_ =	shalt  }
0x60: {  	_ =	shalt  }
0x61: {  	_ =	shalt  }
0x62: {  	_ =	shalt  }
0x63: {  	_ =	shalt  }
0x64: {  	_ =	shalt  }
0x65: {  	_ =	shalt  }
0x66: {  	_ =	shalt  }
0x67: {  	_ =	shalt  }
0x68: {  	_ =	shalt  }
0x69: {  	_ =	shalt  }
0x6a: {  	_ =	shalt  }
0x6b: {  	_ =	shalt  }
0x6c: {  	_ =	shalt  }
0x6d: {  	_ =	shalt  }
0x6e: {  	_ =	shalt  }
0x6f: {  	_ =	shalt  }
0x70: {  	_ =	shalt  }
0x71: {  	_ =	shalt  }
0x72: {  	_ =	shalt  }
0x73: {  	_ =	shalt  }
0x74: {  	_ =	shalt  }
0x75: {  	_ =	shalt  }
0x76: {  	_ =	shalt  }
0x77: {  	_ =	shalt  }
0x78: {  	_ =	shalt  }
0x79: {  	_ =	shalt  }
0x7a: {  	_ =	shalt  }
0x7b: {  	_ =	shalt  }
0x7c: {  	_ =	shalt  }
0x7d: {  	_ =	shalt  }
0x7e: {  	_ =	shalt  }
0x7f: {  	_ =	shalt  }
0x80: {  	_ =	shalt  }
0x81: {  	_ =	shalt  }
0x82: {  	_ =	shalt  }
0x83: {  	_ =	shalt  }
0x84: {  	_ =	shalt  }
0x85: {  	_ =	shalt  }
0x86: {  	_ =	shalt  }
0x87: {  	_ =	shalt  }
.Lfunc_end0:
.L_simem_size_0:
called_computation_lowered:
.L_overlay_start_0:
0x88: {  	s2 =	sld [smem:$0x3FD9]  }
0x89: {  	s3 =	sld [smem:$0x3FFE];
	_ =	sdelay $0x1  }
0x8a: {  	s1 =	srdreg.scid  }
0x8b: {  	s0 =	sand.u32 $0x1, s1  }
0x8c: {  	s17 =	sshll.u32 s0, $0xA;
	s2 =	sadd.s32 s3, s2  }
0x8d: {  	s2 =	sadd.s32 s2, s17  }
0x8e: {  	[smem:$0x3FC2] =	sst s2  }
0x8f: {  	_ = 	snop  }
0x90: {  	s2 =	sld [smem:$0x3FD0];
	(tm) =	ssettm $0x1  }
0x91: {  	s18 =	sld [smem:$0x3FFB];
	_ =	sdelay $0x3  }
0x92: {  	_ =	strace s18  }
0x93: {  	s3 =	sld [smem:$0x3FFC];
	_ =	sdelay $0x3  }
0x94: {  	_ =	strace s3  }
0x95: {  	s3 =	sld [smem:$0x3FFD];
	_ =	sdelay $0x3  }
0x96: {  	_ =	strace s3  }
0x97: {  	_ =	strace $0x8FFFFFFF  }
0x98: {  	s19 =	sld [smem:$0x3FDB];
	_ =	sdelay $0x1  }
0x99: {  	s4 =	simm.s32 $_scs_section_size  }
0x9a: {  	s5 =	simm.s32 $_size__tile_overlayer_lowered;
	s6 =	simm.s32 $_tile_overlayer_lowered  }
0x9b: {  	s22 =	simm.s32 $0x1BFF;
	s21 =	sshll.u32 s6, $0x1;
	s3 =	sadd.s32 s4, s19  }
0x9c: {  	s7 =	simm.s32 $0x0;
	s20 =	sshll.u32 s5, $0x1;
	s5 =	sadd.s32 s21, s3  }
0x9d: {  	[timem:s7], [sflag:s22] =	dma.local [hbm:s5], s20  }
0x9e: {  	_ =	swait.ge [sflag:s22], s20  }
0x9f: {  	s4 =	ssub.s32 $0x0, s20;
	[sflag:s22] =	ssyncset.done $0x0  }
0xa0: {  	[sflag:s22] =	ssyncadd.s32 s4;
	_ =	sdelay $0x1  }
0xa1: {  	s23 =	simm.s32 $0x1B8B  }
0xa2: {  	_ =	swait.ge [sflag:s23], $0x1  }
0xa3: {  	[sflag:s23] =	ssyncset.done $0x0  }
0xa4: {  	s25 =	simm.s32 $0x1B8E;
	s24 =	sld [smem:$0x3FFE];
	[sflag:s23] =	ssyncadd.s32 $0xFFFFFFFF  }
0xa5: {  	s26 =	simm.s32 $execute0_lowered;
	[smem:$0x3FD2] =	sst s25  }
0xa6: {  	s5 =	sshll.u32 s26, $0x1;
	_ =	strace $0x80000046;
	[dreg:$0x1] =	wrdreg $0xFFFFFFFF  }
0xa7: {  	s28 =	simm.s32 $_size_execute0_lowered;
	s3 =	sadd.s32 s3, s5;
	[dreg:$0x0] =	wrdreg $0x0  }
0xa8: {  	s5 =	sshll.u32 s28, $0x1;
	[dreg:$0x2] =	wrdreg s3  }
0xa9: {  	[dreg:$0x3] =	wrdreg s5  }
0xaa: {  	[dreg:$0x4] =	wrdreg $0xC0  }
0xab: {  	_ =	task [dreg:s7], $0x5FFFF  }
0xac: {  	[dreg:$0x1] =	wrdreg $0xFFFFFFFF  }
0xad: {  	[dreg:$0x0] =	wrdreg $0x60  }
0xae: {  	[dreg:$0x2] =	wrdreg s2  }
0xaf: {  	[dreg:$0x3] =	wrdreg s24  }
0xb0: {  	[dreg:$0x4] =	wrdreg $0x9  }
0xb1: {  	_ =	task.clear_ibuf [dreg:s7], $0x5FFFF;
	_ =	strace $0x90000046  }
0xb2: {  	s29 =	simm.s32 $0x9;
	_ =	strace $0x80000048  }
0xb3: {  	_ =	swait.ge [sflag:s29], $0x1  }
0xb4: {  	[sflag:s29] =	ssyncadd.s32 $0xFFFFFFFF  }
0xb5: {  	_ =	strace $0x90000048  }
0xb6: {  	_ =	sfence  }
0xb7: {  	s30 =	sld [smem:$0x0];
	_ =	sdelay $0x2  }
0xb8: {  	s31 =	sshll.u32 s1, $0xD;
	s1 =	sshrl.u32 s1, $0x2  }
0xb9: {  	s3 =	sand.u32 $0x4000, s31;
	s1 =	sadd.s32 s1, s30  }
0xba: {  	s0 =	sor.u32 s3, s0;
	s1 =	sshll.u32 s1, $0x11  }
0xbb: {  	s0 =	sor.u32 s1, s0  }
0xbc: {  	s0 =	sadd.s32 $0x8F2B, s0  }
0xbd: {  	[sflag:s0] =	ssyncadd.remote.s32 $0x1  }
0xbe: {  	_ =	sfence.sel $0xFFFF  }
0xbf: {  	[dreg:$0x0] =	wrdreg $0xFFFFFFFF;
	(pc) =	sbr.abs _section_cstart, $3  }
0xc0: {  	[dreg:$0x1] =	wrdreg $0xFFFFFFFF  }
0xc1: {  	_ =	task.clear_ibuf [dreg:s7], $0x2FFFF;
	_ =	strace $0x9FFFFFFF  }
0xc2: {  	(tm) =	ssettm $0x7FFFFFFF  }
0xc3: {  	_ =	shalt  }
tec
execute0_lowered:
.L_overlay_start_1:
0x0: {  	(tag) =	ssettag $0x1  }
0x1: {  	s24 =	rddreg [dreg:$0x0]  }
0x2: {  	s0 =	rddreg [dreg:$0x1];
	s3 =	simm.s32 $0x0;
	s8 =	stileid.u32  }
0x3: {  	s1 =	srdreg.scid;
	s13 =	simm.s32 $0xC040;
	s15 =	simm.s32 $0x4  }
0x4: {  	s19 =	simm.s32 $0x1E380;
	s20 =	simm.s32 $0x1E590;
	s22 =	simm.s32 $0x2  }
0x5: {  	s23 =	simm.s32 $0x3;
	[smem:$0x7FF] =	sst s3;
	s4 =	sadd.s32 $0x3000, s0  }
0x6: {  	s5 =	sadd.s32 $0x1000, s0;
	s2 =	sshll.u32 s8, $0x1;
	s6 =	sadd.s32 $0x5000, s0  }
0x7: {  	s1 =	sand.u32 $0x1, s1;
	s7 =	sadd.s32 $0x47000, s0;
	s28 =	sshrl.u32 s8, $0x3  }
0x8: {  	_ =	strace $0x80000047;
	s2 =	sand.u32 $0xE, s2;
	s8 =	sshll.u32 s28, $0x15  }
0x9: {  	s29 =	smul.u32 $0x108000, s28;
	s2 =	sor.u32 s1, s2;
	s1 =	ssub.s32 $0x2, s1  }
0xa: {  	s0 =	sshll.u32 s28, $0xF;
	s9 =	sshll.u32 s2, $0x11;
	s10 =	sshrl.u32 s1, $0x1  }
0xb: {  	s11 =	smul.u32 $0x10800, s2;
	s8 =	sor.u32 s8, s9;
	s1 =	ssub.s32 s1, s10  }
0xc: {  	s2 =	sshll.u32 s2, $0xB;
	s30 =	sshrl.u32 s8, $0x3;
	s31 =	smax.u32 s1, $0x1  }
0xd: {  	v0 =	vlaneseq.u32;
	v1 =	vimm.s32 $0x0;
	s1 =	simm.s32 $0x0;
	s10 =	sadd.s32 s24, s30;
	[dreg:$0x4] =	wrdreg s31  }
0xe: {  	v2 =	vor.u32 $0x10, v0;
	v3 =	vor.u32 $0x20, v0;
	v4 =	vor.u32 $0x30, v0;
	[dreg:$0x3] =	wrdreg s10;
	s10 =	sadd.s32 s29, s11;
	s11 =	sor.u32 s0, s2  }
.LBB2_1:
0xf: {  	[dreg:$0x5] =	wrdreg s1  }
0x10: {  	s0 =	rddreg [dreg:$0x3];
	s25 =	simm.s32 $0x0  }
0x11: {  	[tilespmem:s3], [sflag:$0x1] =	stream.linear.gather [hbm4b:s0+s3], $0xC040, $0x38;
	[tilespmem:$0x1E9B0] =	vst v63  }
.LBB2_2:
0x12: {  	s26 =	sshllo.u32 s25, $0x1  }
0x13: {  	s28 =	sshll.u32 s26, $0x8  }
0x14: {  	s30 =	smin.u32 s28, $0x5FF  }
0x15: {  	s29 =	sadd.s32 $0xFFFFFF00, s30  }
0x16: {  	s0 =	sshll.u32 s29, $0x6  }
0x17: {  	s1 =	smul.u32 $0x4200, s25;
	s0 =	sor.u32 s8, s0  }
0x18: {  	s0 =	sshrl.u32 s0, $0x3  }
0x19: {  	s2 =	sadd.s32 s10, s1;
	s0 =	sadd.s32 s24, s0  }
0x1a: {  	[tilespmem:s13], [sflag:$0x2] =	stream.linear.gather [hbm4b:s0+s3], $0xC040, $0x38;
	[tilespmem:$0x1E9B0] =	vst v63  }
0x1b: {  	s0 =	sshrl.u32 s2, $0x3  }
0x1c: {  	s31 =	sshll.u32 s25, $0x9;
	s9 =	simm.s32 $0x18080;
	s0 =	sadd.s32 s6, s0  }
0x1d: {  	[tilespmem:s9], [sflag:$0x4] =	stream.linear.gather [hbm4b:s0+s3], $0x2100, $0x38;
	[tilespmem:$0x1E9B0] =	vst v63  }
0x1e: {  	s12 =	sor.u32 s11, s31;
	_ =	swait.ge [sflag:s15], $0x2100  }
0x1f: {  	s0 =	sshrl.u32 s12, $0x3;
	[sflag:s15] =	ssyncset.done $0x0  }
0x20: {  	s2 =	simm.s32 $0x1A180;
	s14 =	sadd.s32 s4, s0;
	[sflag:s15] =	ssyncadd.s32 $0xFFFFDF00  }
0x21: {  	[tilespmem:s2], [sflag:$0x4] =	stream.linear.gather [hbm4b:s14+s3], $0x100, $0x38;
	[tilespmem:$0x1E9B0] =	vst v63  }
0x22: {  	_ =	swait.ge [sflag:s15], $0x100  }
0x23: {  	[sflag:s15] =	ssyncset.done $0x0  }
0x24: {  	s16 =	simm.s32 $0x1A280;
	s0 =	sadd.s32 s5, s0;
	[sflag:s15] =	ssyncadd.s32 $0xFFFFFF00  }
0x25: {  	[tilespmem:s16], [sflag:$0x4] =	stream.linear.gather [hbm4b:s0+s3], $0x100, $0x38;
	[tilespmem:$0x1E9B0] =	vst v63  }
0x26: {  	_ =	swait.ge [sflag:s15], $0x100  }
0x27: {  	[sflag:s15] =	ssyncset.done $0x0  }
0x28: {  	s21 =	simm.s32 $0x1;
	[sflag:s15] =	ssyncadd.s32 $0xFFFFFF00  }
0x29: {  	s17 =	smax.u32 s31, $0x100;
	_ =	swait.ge [sflag:s21], $0xC040  }
0x2a: {  	p0 =	seq.s32 s25, $0x0;
	s0 =	smin.u32 s17, $0x5FF;
	[sflag:s21] =	ssyncset.done $0x0  }
0x2b: {  	s1 =	simm.s32 @!p0 $0x3;
	s0 =	sadd.s32 $0xFFFFFF00, s0;
	[sflag:s21] =	ssyncadd.s32 $0xFFFF3FC0  }
0x2c: {  	s18 =	smov.u32 s24;
	s24 =	sshll.u32 s0, $0x6;
	_ =	swait.ge @!p0 [sflag:s1], $0x4000  }
0x2d: {  	s2 =	sxor.u32 $0x1FFC0, s24;
	[sflag:s1] =	ssyncset.done @!p0 $0x0  }
0x2e: {  	v5 =	vmov s0;
	s0 =	simm.s32 $0x0;
	v6 =	vmov s2;
	s2 =	simm.s32 $0x18080;
	[sflag:s1] =	ssyncadd.s32 @!p0 $0xFFFFC000  }
.LBB2_3:
0x2f: {  	s9 =	sshll.u32 s0, $0x4  }
0x30: {  	v8 =	vld [tilespmem:s9+$0x1A180];
	_ =	sdelay $0x1  }
0x31: {  	s1 =	simm.s32 $0xFFFFFFF0;
	v9 =	vld [tilespmem:s9+$0x1A280]  }
0x32: {  	s1 =	scvt.s32.f32 s1;
	_ =	sdelay $0x1  }
0x33: {  	v7 =	vmul.f32 s1, v8;
	_ =	sdelay $0x1  }
0x34: {  	s12 =	sor.u32 s31, s9;
	v10 =	vadd.f32 v7, v9  }
0x35: {  	s14 =	simm.s32 $0xFFFFFFF1;
	v7 =	vor.u32 s12, v0  }
0x36: {  	s1 =	scvt.s32.f32 s14;
	v7 =	vcvt.s32.f32 v7;
	v10 =	vmax.f32 v10, $-2.560000000e+02  }
0x37: {  	v10 =	vmin.f32 v10, $2.560000000e+02  }
0x38: {  	s12 =	simm.s32 $0xFFFFFFF2;
	v11 =	vmul.f32 s1, v8;
	v10 =	vadd.f32 v7, v10  }
0x39: {  	s16 =	scvt.s32.f32 s12  }
0x3a: {  	v11 =	vadd.f32 v11, v9;
	v12 =	vtrunc.f32 v10  }
0x3b: {  	v13 =	vcvt.f32.s32 v12;
	vm0 =	vlt.f32 v10, v12;
	v12 =	vmul.f32 s16, v8  }
0x3c: {  	s17 =	simm.s32 $0xFFFFFFF3;
	v11 =	vmax.f32 v11, $-2.560000000e+02;
	v14 =	vsel vm0, $0xFFFFFFFF, v1  }
0x3d: {  	v16 =	vld [tilespmem:s2+$0x0];
	s1 =	scvt.s32.f32 s17;
	v11 =	vmin.f32 v11, $2.560000000e+02;
	v13 =	vadd.s32 v13, v14;
	v14 =	vadd.f32 v12, v9  }
0x3e: {  	v12 =	vadd.f32 v7, v11;
	v15 =	vcvt.s32.f32 v13;
	vm14 =	vgt.s32 v13, $0x0  }
0x3f: {  	v17 =	vmax.f32 v14, $-2.560000000e+02;
	v11 =	vnsel vm14, $0x0, v13;
	v13 =	vmul.f32 s1, v8  }
0x40: {  	v14 =	vtrunc.f32 v12;
	v10 =	vsub.f32 v10, v15;
	v11 =	vmin.u32 v11, $0x7FF  }
0x41: {  	v15 =	vcvt.f32.s32 v14;
	vm15 =	vlt.f32 v12, v14;
	v13 =	vadd.f32 v13, v9  }
0x42: {  	v14 =	vsel vm15, $0xFFFFFFFF, v1;
	v11 =	vsub.s32 v11, v5;
	v10 =	vmul.f32 v16, v10  }
0x43: {  	s21 =	simm.s32 $0x1E380;
	s24 =	sadd.s32 $0x100, s2;
	s14 =	simm.s32 $0x1E7A0;
	v17 =	vmin.f32 v17, $2.560000000e+02;
	v15 =	vadd.s32 v15, v14;
	v18 =	vshll.u32 v11, $0x6  }
0x44: {  	s12 =	simm.s32 $0x1E7A0;
	s16 =	simm.s32 $0xFFFFFFF4;
	s1 =	simm.s32 $0x1E390;
	v11 =	vld [tilespmem:s24+$0x0];
	v13 =	vmax.f32 v13, $-2.560000000e+02;
	[tilespmem:s21+$0x0] =	vst v18;
	v14 =	vsub.f32 v16, v10;
	v16 =	vcvt.s32.f32 v15  }
.LBB2_4:
0x45: {  	s21 =	smov.u32 s16  }
0x46: {  	s17 =	scvt.s32.f32 s16;
	v17 =	vadd.f32 v7, v17;
	vm0 =	vgt.s32 v15, $0x0;
	[tilespmem:s12+$0xFFFFFDF0] =	vst v14;
	s14 =	sadd.s32 $0x10, s14;
	s21 =	sadd.s32 $0x1, s16  }
0x47: {  	p0 =	sne.s32 s16, $0x10;
	v14 =	vsub.f32 v12, v16;
	v18 =	vnsel vm0, $0x0, v15;
	[tilespmem:s12+$0x0] =	vst v10;
	s12 =	smov.u32 s14  }
.Ltmp0:
0x48: {  	v15 =	vmul.f32 s17, v8;
	v10 =	vtrunc.f32 v17;
	v16 =	vmin.u32 v18, $0x7FF;
	v12 =	vmovc v17;
	(pc) =	sbr.rel @p0 .LBB2_4-.Ltmp0, $4  }
0x49: {  	v17 =	vcvt.f32.s32 v10;
	vm0 =	vlt.f32 v12, v10;
	v10 =	vmul.f32 v11, v14  }
0x4a: {  	s24 =	sadd.s32 $0x100, s24;
	v16 =	vsub.s32 v16, v5;
	v18 =	vadd.f32 v15, v9;
	v14 =	vsel vm0, $0xFFFFFFFF, v1  }
0x4b: {  	v19 =	vshll.u32 v16, $0x6;
	v15 =	vadd.s32 v17, v14;
	v14 =	vsub.f32 v11, v10;
	v11 =	vld [tilespmem:s24+$0x0]  }
0x4c: {  	s16 =	smov.u32 s21;
	v17 =	vmin.f32 v13, $2.560000000e+02;
	v13 =	vmax.f32 v18, $-2.560000000e+02;
	v16 =	vcvt.s32.f32 v15;
	[tilespmem:s1+$0x0] =	vst v19;
	s1 =	sadd.s32 $0x10, s1  }
0x4d: {  	v8 =	vadd.f32 v7, v17;
	v13 =	vmin.f32 v13, $2.560000000e+02  }
0x4e: {  	vm12 =	vgt.s32 v15, $0x0;
	v7 =	vadd.f32 v7, v13  }
0x4f: {  	v51 =	vnsel vm12, $0x0, v15;
	v12 =	vsub.f32 v12, v16;
	v9 =	vtrunc.f32 v8  }
0x50: {  	v13 =	vmin.u32 v51, $0x7FF;
	v50 =	vcvt.f32.s32 v9;
	vm0 =	vlt.f32 v8, v9  }
0x51: {  	v54 =	vtrunc.f32 v7;
	v12 =	vmul.f32 v11, v12;
	v13 =	vsub.s32 v13, v5  }
0x52: {  	s16 =	sadd.s32 $0x100, s24;
	v9 =	vsel vm0, $0xFFFFFFFF, v1;
	v55 =	vcvt.f32.s32 v54;
	vm13 =	vlt.f32 v7, v54  }
0x53: {  	v53 =	vld [tilespmem:s16+$0x0];
	s16 =	sadd.s32 $0x100, s16;
	v13 =	vshll.u32 v13, $0x6;
	v9 =	vadd.s32 v50, v9;
	v17 =	vsel vm13, $0xFFFFFFFF, v1  }
0x54: {  	[tilespmem:s12+$0xFFFFFDF0] =	vst v14;
	v57 =	vld [tilespmem:s16+$0x0];
	v52 =	vcvt.s32.f32 v9;
	vm14 =	vgt.s32 v9, $0x0;
	v56 =	vadd.s32 v55, v17  }
0x55: {  	[tilespmem:s12+$0x0] =	vst v10;
	v58 =	vsub.f32 v11, v12;
	v9 =	vnsel vm14, $0x0, v9;
	v59 =	vcvt.s32.f32 v56  }
0x56: {  	s21 =	sadd.s32 $0x10, s14;
	[tilespmem:s1+$0x0] =	vst v13;
	vm15 =	vgt.s32 v56, $0x0;
	v8 =	vsub.f32 v8, v52;
	v9 =	vmin.u32 v9, $0x7FF  }
0x57: {  	[tilespmem:s21+$0x0] =	vst v12;
	v61 =	vnsel vm15, $0x0, v56;
	v9 =	vsub.s32 v9, v5;
	v7 =	vsub.f32 v7, v59  }
0x58: {  	s24 =	sadd.s32 $0x10, s1;
	[tilespmem:s21+$0xFFFFFDF0] =	vst v58;
	v62 =	vmin.u32 v61, $0x7FF;
	v8 =	vmul.f32 v53, v8;
	v9 =	vshll.u32 v9, $0x6  }
0x59: {  	s12 =	sadd.s32 $0x10, s21;
	[tilespmem:s24+$0x0] =	vst v9;
	v7 =	vmul.f32 v57, v7;
	v9 =	vsub.s32 v62, v5  }
0x5a: {  	s1 =	sadd.s32 $0x10, s24;
	v60 =	vsub.f32 v53, v8;
	[tilespmem:s12+$0x0] =	vst v8;
	v8 =	vshll.u32 v9, $0x6  }
0x5b: {  	v63 =	vsub.f32 v57, v7;
	[tilespmem:s1+$0x0] =	vst v8  }
0x5c: {  	[tilespmem:s12+$0xFFFFFDF0] =	vst v60;
	s12 =	sadd.s32 $0x10, s12  }
0x5d: {  	[tilespmem:s12+$0xFFFFFDF0] =	vst v63  }
0x5e: {  	s24 =	simm.s32 $0x20;
	[tilespmem:s12+$0x0] =	vst v7;
	s12 =	simm.s32 $0x0  }
.LBB2_6:
0x5f: {  	v7 =	vmov s24  }
0x60: {  	s1 =	sadd.s32 $0xFFFFFFE0, s24  }
0x61: {  	s17 =	sadd.s32 $0xFFFFFFF0, s24;
	v8 =	vmov s1  }
0x62: {  	v9 =	vmov s17;
	_ =	sdelay $0x1  }
0x63: {  	s21 =	sadd.s32 $0x30, s24;
	v11 =	vand.u32 $0x7FF, v7;
	v12 =	vld.idx.msk [tilespmem:v7+s19+$0x0], $0xffff  }
0x64: {  	s16 =	sadd.s32 $0xFFFFFFF0, s21;
	v11 =	vadd.s32 $0x210, v11;
	v21 =	vld.idx.msk [tilespmem:v7+s20+$0x0], $0xffff  }
0x65: {  	v10 =	vand.u32 $0x7FF, v9;
	v40 =	vmov s16;
	v13 =	vld.idx.msk [tilespmem:v8+s19+$0x0], $0xffff  }
0x66: {  	v14 =	vand.u32 $0x3FF, v8;
	v10 =	vadd.s32 $0x210, v10;
	v16 =	vld.idx.msk [tilespmem:v9+s19+$0x0], $0xffff  }
0x67: {  	v14 =	vadd.s32 $0x210, v14;
	v8 =	vld.idx.msk [tilespmem:v8+s20+$0x0], $0xffff  }
0x68: {  	v20 =	vld.idx.msk [tilespmem:v9+s20+$0x0], $0xffff;
	v17 =	vadd.s32 v4, v12  }
0x69: {  	v15 =	vld.idx.msk [tilespmem:v11+s20+$0x0], $0xffff;
	v9 =	vadd.s32 v2, v12  }
0x6a: {  	v45 =	vld.idx.msk [tilespmem:v40+s19+$0x0], $0xffff;
	v32 =	vadd.s32 v0, v12  }
0x6b: {  	v10 =	vld.idx.msk [tilespmem:v10+s20+$0x0], $0xffff;
	v18 =	vadd.s32 v2, v13  }
0x6c: {  	v14 =	vld.idx.msk [tilespmem:v14+s20+$0x0], $0xffff;
	v19 =	vadd.s32 v0, v13  }
0x6d: {  	v22 =	vadd.s32 v4, v16;
	v17 =	vld.idx.msk [tilespmem:v17+s3+$0x0], $0xffff  }
0x6e: {  	v25 =	vadd.s32 $0x40, v12;
	v11 =	vadd.s32 $0x40, v13;
	v28 =	vadd.s32 v0, v16;
	v9 =	vld.idx.msk [tilespmem:v9+s3+$0x0], $0xffff  }
0x6f: {  	v7 =	vadd.s32 $0x40, v16;
	vm12 =	vlt.s32 v25, v6;
	v30 =	vadd.s32 v4, v13;
	v32 =	vld.idx.msk [tilespmem:v32+s3+$0x0], $0xffff  }
0x70: {  	v13 =	vadd.s32 v3, v13;
	vm0 =	vlt.s32 v11, v6;
	v25 =	vsel vm12, v25, v6;
	v18 =	vld.idx.msk [tilespmem:v18+s3+$0x0], $0xffff  }
0x71: {  	vm11 =	vlt.s32 v7, v6;
	v11 =	vsel vm0, v11, v6;
	v31 =	vadd.s32 v0, v25;
	v19 =	vld.idx.msk [tilespmem:v19+s3+$0x0], $0xffff  }
0x72: {  	v7 =	vsel vm11, v7, v6;
	v23 =	vadd.s32 v3, v11;
	v29 =	vld.idx.msk [tilespmem:v22+s3+$0x0], $0xffff  }
0x73: {  	v24 =	vadd.s32 v0, v7;
	v28 =	vld.idx.msk [tilespmem:v28+s3+$0x0], $0xffff  }
0x74: {  	v26 =	vadd.s32 v0, v11;
	v30 =	vld.idx.msk [tilespmem:v30+s3+$0x0], $0xffff  }
0x75: {  	v27 =	vadd.s32 v4, v7;
	v13 =	vld.idx.msk [tilespmem:v13+s3+$0x0], $0xffff  }
0x76: {  	v33 =	vadd.s32 v4, v11;
	v31 =	vld.idx.msk [tilespmem:v31+s3+$0x0], $0xffff  }
0x77: {  	v34 =	vadd.s32 v2, v7;
	v7 =	vadd.s32 v3, v7;
	v23 =	vld.idx.msk [tilespmem:v23+s3+$0x0], $0xffff  }
0x78: {  	v37 =	vadd.s32 v3, v16;
	v24 =	vld.idx.msk [tilespmem:v24+s3+$0x0], $0xffff  }
0x79: {  	v22 =	vadd.s32 v2, v25;
	v26 =	vld.idx.msk [tilespmem:v26+s3+$0x0], $0xffff  }
0x7a: {  	v36 =	vadd.s32 v4, v25;
	v27 =	vld.idx.msk [tilespmem:v27+s3+$0x0], $0xffff  }
0x7b: {  	v12 =	vadd.s32 v3, v12;
	v16 =	vadd.s32 v2, v16;
	v33 =	vld.idx.msk [tilespmem:v33+s3+$0x0], $0xffff  }
0x7c: {  	v11 =	vadd.s32 v2, v11;
	v39 =	vld.idx.msk [tilespmem:v7+s3+$0x0], $0xffff;
	v7 =	vmul.f32 v9, v21;
	v38 =	vmul.f32 v18, v8  }
0x7d: {  	v25 =	vadd.s32 v3, v25;
	v37 =	vld.idx.msk [tilespmem:v37+s3+$0x0], $0xffff;
	v18 =	vmul.f32 v19, v8;
	v29 =	vmul.f32 v29, v20  }
0x7e: {  	s14 =	sadd.s32 $0xFFFFFFE0, s21;
	v35 =	vld.idx.msk [tilespmem:v22+s3+$0x0], $0xffff;
	v19 =	vmov s21;
	v30 =	vmul.f32 v30, v8;
	v31 =	vmul.f32 v31, v15  }
0x7f: {  	v36 =	vld.idx.msk [tilespmem:v36+s3+$0x0], $0xffff;
	v9 =	vmul.f32 v26, v14;
	v26 =	vmov s14;
	v24 =	vmul.f32 v24, v10  }
0x80: {  	v34 =	vld.idx.msk [tilespmem:v34+s3+$0x0], $0xffff;
	v22 =	vimm.f32 $0.0e+00;
	v27 =	vmul.f32 v27, v10;
	v42 =	vmul.f32 v23, v14  }
0x81: {  	v41 =	vld.idx.msk [tilespmem:v11+s3+$0x0], $0xffff;
	v23 =	vmul.f32 v28, v20;
	v33 =	vmul.f32 v33, v14;
	v9 =	vadd.f32 v9, v18  }
0x82: {  	v28 =	vld.idx.msk [tilespmem:v12+s3+$0x0], $0xffff;
	v11 =	vand.u32 $0x3FF, v26;
	v18 =	vand.u32 $0x7FF, v40;
	v27 =	vadd.f32 v27, v29  }
0x83: {  	v43 =	vld.idx.msk [tilespmem:v19+s19+$0x0], $0xffff;
	v18 =	vadd.s32 $0x210, v18;
	v12 =	vadd.f32 v9, v22;
	v9 =	vmul.f32 v35, v15  }
0x84: {  	v29 =	vmul.f32 v17, v21;
	v17 =	vand.u32 $0x7FF, v19;
	v44 =	vadd.s32 $0x210, v11;
	v57 =	vld.idx.msk [tilespmem:v26+s19+$0x0], $0xffff  }
0x85: {  	v23 =	vadd.f32 v24, v23;
	v17 =	vadd.s32 $0x210, v17;
	v11 =	vadd.f32 v9, v7;
	v7 =	vld.idx.msk [tilespmem:v26+s20+$0x0], $0xffff  }
0x86: {  	v58 =	vadd.s32 v4, v45;
	v46 =	vmul.f32 v34, v10;
	v26 =	vmul.f32 v36, v15;
	v36 =	vld.idx.msk [tilespmem:v16+s3+$0x0], $0xffff  }
0x87: {  	v34 =	vmul.f32 v13, v8;
	v24 =	vmul.f32 v32, v21;
	v23 =	vadd.f32 v23, v12;
	v12 =	vld.idx.msk [tilespmem:v19+s20+$0x0], $0xffff  }
0x88: {  	v14 =	vmul.f32 v41, v14;
	v47 =	vmul.f32 v28, v21;
	v9 =	vld.idx.msk [tilespmem:v18+s20+$0x0], $0xffff  }
0x89: {  	v16 =	vadd.f32 v31, v24;
	v19 =	vadd.s32 v2, v43;
	v18 =	vadd.f32 v33, v30;
	v33 =	vld.idx.msk [tilespmem:v25+s3+$0x0], $0xffff  }
0x8a: {  	v30 =	vmul.f32 v39, v10;
	v25 =	vadd.s32 v4, v43;
	v8 =	vld.idx.msk [tilespmem:v17+s20+$0x0], $0xffff;
	v17 =	vadd.s32 $0x40, v45  }
0x8b: {  	v49 =	vld.idx.msk [tilespmem:v58+s3+$0x0], $0xffff;
	vm14 =	vlt.s32 v17, v6;
	v24 =	vadd.s32 v2, v57;
	v13 =	vadd.s32 $0x40, v57  }
0x8c: {  	v10 =	vld.idx.msk [tilespmem:v40+s20+$0x0], $0xffff;
	v31 =	vadd.s32 v0, v57;
	v61 =	vsel vm14, v17, v6;
	vm13 =	vlt.s32 v13, v6  }
0x8d: {  	v18 =	vadd.f32 v18, v22;
	v21 =	vadd.s32 v0, v61;
	v59 =	vsel vm13, v13, v6;
	v13 =	vld.idx.msk [tilespmem:v44+s20+$0x0], $0xffff  }
0x8e: {  	v17 =	vadd.f32 v16, v23;
	v16 =	vadd.f32 v26, v29;
	v50 =	vadd.s32 v2, v61;
	v29 =	vld.idx.msk [tilespmem:v19+s3+$0x0], $0xffff  }
0x8f: {  	v23 =	vadd.s32 $0x40, v43;
	v18 =	vadd.f32 v27, v18;
	v27 =	vadd.s32 v4, v61;
	v44 =	vld.idx.msk [tilespmem:v25+s3+$0x0], $0xffff  }
0x90: {  	v38 =	vadd.f32 v14, v38;
	vm15 =	vlt.s32 v23, v6;
	v25 =	vld.idx.msk [tilespmem:v24+s3+$0x0], $0xffff;
	v24 =	vadd.s32 v0, v59  }
0x91: {  	v37 =	vmul.f32 v37, v20;
	v48 =	vsel vm15, v23, v6;
	v60 =	vadd.s32 v3, v59;
	v28 =	vld.idx.msk [tilespmem:v31+s3+$0x0], $0xffff  }
0x92: {  	v38 =	vadd.f32 v38, v22;
	v54 =	vadd.s32 v0, v43;
	v62 =	vadd.s32 v2, v48;
	v51 =	vld.idx.msk [tilespmem:v21+s3+$0x0], $0xffff  }
0x93: {  	v35 =	vadd.s32 v4, v57;
	v55 =	vadd.f32 v30, v37;
	v31 =	vadd.s32 v0, v45;
	v37 =	vld.idx.msk [tilespmem:v50+s3+$0x0], $0xffff  }
0x94: {  	v26 =	vadd.s32 v3, v61;
	v20 =	vmul.f32 v36, v20;
	v63 =	vadd.s32 v0, v48;
	v53 =	vld.idx.msk [tilespmem:v27+s3+$0x0], $0xffff  }
0x95: {  	v23 =	vadd.s32 v3, v57;
	v19 =	vadd.s32 v2, v59;
	v39 =	vadd.s32 v4, v59;
	v52 =	vld.idx.msk [tilespmem:v24+s3+$0x0], $0xffff  }
0x96: {  	v15 =	vmul.f32 v33, v15;
	v41 =	vadd.f32 v46, v20;
	v16 =	vadd.f32 v16, v18;
	v40 =	vld.idx.msk [tilespmem:v60+s3+$0x0], $0xffff  }
0x97: {  	v18 =	vadd.s32 v3, v48;
	v48 =	vadd.s32 v4, v48;
	v59 =	vadd.f32 v42, v34;
	v32 =	vld.idx.msk [tilespmem:v62+s3+$0x0], $0xffff  }
0x98: {  	v21 =	vadd.s32 v2, v45;
	v27 =	vmul.f32 v29, v12;
	v60 =	vmul.f32 v49, v10;
	v57 =	vld.idx.msk [tilespmem:v31+s3+$0x0], $0xffff  }
0x99: {  	v30 =	vld.idx.msk [tilespmem:v63+s3+$0x0], $0xffff;
	v63 =	vadd.f32 v59, v22;
	v22 =	vmul.f32 v44, v12;
	v14 =	vmul.f32 v25, v7  }
0x9a: {  	v29 =	vld.idx.msk [tilespmem:v54+s3+$0x0], $0xffff;
	v24 =	vadd.s32 v3, v45;
	v58 =	vmul.f32 v28, v7;
	v61 =	vmul.f32 v52, v13  }
0x9b: {  	v25 =	vadd.s32 v3, v43;
	v31 =	vld.idx.msk [tilespmem:v35+s3+$0x0], $0xffff;
	v35 =	vadd.f32 v15, v47;
	v62 =	vmul.f32 v53, v9  }
0x9c: {  	v36 =	vld.idx.msk [tilespmem:v39+s3+$0x0], $0xffff;
	v39 =	vadd.f32 v55, v63;
	v15 =	vmul.f32 v40, v13;
	v40 =	vadd.f32 v61, v58  }
0x9d: {  	s1 =	sadd.s32 $0x30, s21;
	s14 =	simm.s32 $0x3;
	v33 =	vld.idx.msk [tilespmem:v48+s3+$0x0], $0xffff;
	v28 =	vmul.f32 v51, v9;
	v20 =	vadd.f32 v62, v60;
	v34 =	vmul.f32 v57, v10  }
.LBB2_7:
0x9e: {  	s16 =	sadd.s32 $0xFFFFFFE0, s1;
	s17 =	sadd.s32 $0xFFFFFFF0, s1;
	v42 =	vmov s1;
	s14 =	sadd.s32 $0x3, s14;
	v17 =	vadd.f32 v40, v17;
	v26 =	vld.idx.msk [tilespmem:v26+s3+$0x0], $0xffff;
	v32 =	vmul.f32 v32, v8  }
0x9f: {  	v38 =	vadd.f32 v41, v38;
	v40 =	vmov s16;
	v43 =	vmov s17;
	p0 =	slt.u32 s14, $0x1E;
	v23 =	vld.idx.msk [tilespmem:v23+s3+$0x0], $0xffff  }
0xa0: {  	v31 =	vmul.f32 v31, v7;
	v41 =	vand.u32 $0x3FF, v40;
	v44 =	vand.u32 $0x7FF, v43;
	v24 =	vld.idx.msk [tilespmem:v24+s3+$0x0], $0xffff  }
0xa1: {  	v45 =	vand.u32 $0x7FF, v42;
	v39 =	vadd.f32 v35, v39;
	v41 =	vadd.s32 $0x210, v41;
	v19 =	vld.idx.msk [tilespmem:v19+s3+$0x0], $0xffff  }
0xa2: {  	v38 =	vadd.f32 v11, v38;
	v35 =	vadd.s32 $0x210, v44;
	v44 =	vadd.s32 $0x210, v45;
	v25 =	vld.idx.msk [tilespmem:v25+s3+$0x0], $0xffff  }
0xa3: {  	v30 =	vmul.f32 v30, v8;
	v36 =	vmul.f32 v36, v13;
	v11 =	vadd.f32 v32, v27;
	v45 =	vld.idx.msk [tilespmem:v42+s19+$0x0], $0xffff  }
0xa4: {  	v28 =	vadd.f32 v28, v34;
	v29 =	vmul.f32 v29, v12;
	v46 =	vmul.f32 v37, v9;
	v27 =	vld.idx.msk [tilespmem:v40+s19+$0x0], $0xffff  }
0xa5: {  	v31 =	vadd.f32 v36, v31;
	v34 =	vmul.f32 v26, v9;
	v26 =	vmul.f32 v33, v8;
	v32 =	vld.idx.msk [tilespmem:v43+s19+$0x0], $0xffff  }
0xa6: {  	v17 =	vadd.f32 v28, v17;
	v33 =	vmul.f32 v23, v7;
	v23 =	vadd.f32 v30, v29;
	v7 =	vld.idx.msk [tilespmem:v40+s20+$0x0], $0xffff  }
0xa7: {  	v29 =	vmul.f32 v24, v10;
	v28 =	vmul.f32 v19, v13;
	v13 =	vadd.f32 v31, v16;
	v9 =	vld.idx.msk [tilespmem:v35+s20+$0x0], $0xffff  }
0xa8: {  	v17 =	vadd.f32 v23, v17;
	v16 =	vadd.f32 v26, v22;
	v35 =	vmul.f32 v25, v12;
	v30 =	vld.idx.msk [tilespmem:v18+s3+$0x0], $0xffff  }
0xa9: {  	v18 =	vadd.s32 $0x40, v45;
	v22 =	vadd.s32 v4, v45;
	v20 =	vadd.f32 v20, v13;
	v36 =	vld.idx.msk [tilespmem:v21+s3+$0x0], $0xffff  }
0xaa: {  	v13 =	vadd.s32 $0x40, v27;
	v21 =	vadd.s32 v0, v27;
	v23 =	vadd.s32 v2, v27;
	v31 =	vld.idx.msk [tilespmem:v44+s20+$0x0], $0xffff  }
0xab: {  	vm0 =	vlt.s32 v13, v6;
	v24 =	vadd.s32 $0x40, v32;
	v25 =	vadd.s32 v4, v32;
	v12 =	vld.idx.msk [tilespmem:v42+s20+$0x0], $0xffff  }
0xac: {  	v40 =	vadd.s32 v2, v45;
	v26 =	vsel vm0, v13, v6;
	vm0 =	vlt.s32 v24, v6;
	v37 =	vld.idx.msk [tilespmem:v43+s20+$0x0], $0xffff  }
0xad: {  	v19 =	vadd.s32 v2, v26;
	v42 =	vadd.s32 v3, v26;
	v13 =	vld.idx.msk [tilespmem:v41+s20+$0x0], $0xffff;
	v41 =	vadd.s32 v0, v26  }
0xae: {  	v43 =	vadd.s32 v4, v26;
	v24 =	vsel vm0, v24, v6;
	vm0 =	vlt.s32 v18, v6;
	v22 =	vld.idx.msk [tilespmem:v22+s3+$0x0], $0xffff  }
0xaf: {  	v47 =	vadd.s32 v0, v24;
	v48 =	vadd.s32 v2, v24;
	v49 =	vadd.s32 v4, v24;
	v44 =	vld.idx.msk [tilespmem:v23+s3+$0x0], $0xffff  }
0xb0: {  	v51 =	vadd.s32 v0, v32;
	v16 =	vadd.f32 v16, v20;
	v50 =	vld.idx.msk [tilespmem:v21+s3+$0x0], $0xffff;
	v21 =	vsel vm0, v18, v6  }
0xb1: {  	v26 =	vadd.s32 v3, v24;
	v23 =	vadd.s32 v3, v27;
	v20 =	vadd.s32 v0, v21;
	v40 =	vld.idx.msk [tilespmem:v40+s3+$0x0], $0xffff  }
0xb2: {  	v52 =	vadd.s32 v4, v27;
	v54 =	vadd.s32 v2, v21;
	v18 =	vadd.s32 v3, v21;
	v53 =	vld.idx.msk [tilespmem:v25+s3+$0x0], $0xffff  }
0xb3: {  	v56 =	vadd.f32 v28, v14;
	v24 =	vadd.s32 v3, v32;
	v55 =	vadd.s32 v4, v21;
	v42 =	vld.idx.msk [tilespmem:v42+s3+$0x0], $0xffff  }
0xb4: {  	v21 =	vadd.s32 v2, v32;
	v25 =	vadd.s32 v3, v45;
	v28 =	vld.idx.msk [tilespmem:v47+s3+$0x0], $0xffff  }
0xb5: {  	v14 =	vmul.f32 v44, v7;
	v41 =	vld.idx.msk [tilespmem:v41+s3+$0x0], $0xffff  }
0xb6: {  	v45 =	vadd.s32 v0, v45;
	v44 =	vmul.f32 v50, v7;
	v47 =	vld.idx.msk [tilespmem:v49+s3+$0x0], $0xffff  }
0xb7: {  	v27 =	vmul.f32 v40, v12;
	v49 =	vld.idx.msk [tilespmem:v51+s3+$0x0], $0xffff  }
0xb8: {  	v50 =	vadd.f32 v34, v29;
	v29 =	vmul.f32 v30, v8;
	v8 =	vmov v31;
	v32 =	vld.idx.msk [tilespmem:v54+s3+$0x0], $0xffff  }
0xb9: {  	v33 =	vadd.f32 v15, v33;
	v51 =	vmul.f32 v36, v10;
	v10 =	vmov v37;
	v31 =	vld.idx.msk [tilespmem:v52+s3+$0x0], $0xffff  }
.Ltmp1:
0xba: {  	v35 =	vadd.f32 v29, v35;
	v28 =	vmul.f32 v28, v9;
	v52 =	vmul.f32 v53, v10;
	v30 =	vld.idx.msk [tilespmem:v20+s3+$0x0], $0xffff;
	(pc) =	sbr.rel @p0 .LBB2_7-.Ltmp1, $4  }
0xbb: {  	v15 =	vmul.f32 v42, v13;
	v20 =	vmul.f32 v41, v13;
	v29 =	vld.idx.msk [tilespmem:v45+s3+$0x0], $0xffff  }
0xbc: {  	v39 =	vadd.f32 v33, v39;
	v38 =	vadd.f32 v56, v38;
	v42 =	vmul.f32 v47, v9;
	v36 =	vld.idx.msk [tilespmem:v43+s3+$0x0], $0xffff  }
0xbd: {  	v41 =	vadd.f32 v46, v51;
	v40 =	vadd.f32 v20, v44;
	v34 =	vmul.f32 v49, v10;
	v37 =	vld.idx.msk [tilespmem:v48+s3+$0x0], $0xffff  }
0xbe: {  	s1 =	sadd.s32 $0x30, s1;
	v22 =	vmul.f32 v22, v12;
	v39 =	vadd.f32 v50, v39;
	v20 =	vadd.f32 v42, v52;
	v33 =	vld.idx.msk [tilespmem:v55+s3+$0x0], $0xffff  }
0xbf: {  	_ =	sdelay $0x3  }
0xc0: {  	v26 =	vld.idx.msk [tilespmem:v26+s3+$0x0], $0xffff  }
0xc1: {  	v38 =	vadd.f32 v41, v38;
	v19 =	vld.idx.msk [tilespmem:v19+s3+$0x0], $0xffff  }
0xc2: {  	v17 =	vadd.f32 v40, v17;
	v32 =	vmul.f32 v32, v8;
	v23 =	vld.idx.msk [tilespmem:v23+s3+$0x0], $0xffff;
	v31 =	vmul.f32 v31, v7  }
0xc3: {  	v21 =	vld.idx.msk [tilespmem:v21+s3+$0x0], $0xffff;
	v30 =	vmul.f32 v30, v8;
	v28 =	vadd.f32 v28, v34;
	v35 =	vadd.f32 v35, v39  }
0xc4: {  	v24 =	vld.idx.msk [tilespmem:v24+s3+$0x0], $0xffff;
	v29 =	vmul.f32 v29, v12;
	v11 =	vadd.f32 v11, v38;
	v36 =	vmul.f32 v36, v13  }
0xc5: {  	v25 =	vld.idx.msk [tilespmem:v25+s3+$0x0], $0xffff;
	v27 =	vadd.f32 v32, v27;
	v17 =	vadd.f32 v28, v17;
	v52 =	vmul.f32 v37, v9  }
0xc6: {  	v18 =	vld.idx.msk [tilespmem:v18+s3+$0x0], $0xffff;
	v57 =	vadd.f32 v30, v29;
	v55 =	vmul.f32 v33, v8;
	v56 =	vmul.f32 v19, v13  }
0xc7: {  	v54 =	vadd.f32 v36, v31;
	v53 =	vmul.f32 v26, v9;
	v7 =	vmul.f32 v23, v7  }
0xc8: {  	v58 =	vmul.f32 v21, v10;
	v17 =	vadd.f32 v57, v17;
	v13 =	vadd.f32 v56, v14  }
0xc9: {  	v59 =	vmul.f32 v24, v10;
	v16 =	vadd.f32 v54, v16;
	v7 =	vadd.f32 v15, v7  }
0xca: {  	v60 =	vmul.f32 v25, v12;
	v61 =	vadd.f32 v52, v58;
	v11 =	vadd.f32 v13, v11  }
0xcb: {  	v8 =	vmul.f32 v18, v8;
	v9 =	vadd.f32 v53, v59;
	v7 =	vadd.f32 v7, v35  }
0xcc: {  	s1 =	sadd.s32 s9, s12;
	s12 =	sadd.s32 $0x1, s12;
	v62 =	vadd.f32 v55, v22;
	v11 =	vadd.f32 v61, v11  }
0xcd: {  	s1 =	sshll.u32 s1, $0x6;
	p0 =	sne.s32 s12, $0x10;
	v8 =	vadd.f32 v8, v60;
	v7 =	vadd.f32 v9, v7  }
.Ltmp2:
0xce: {  	s1 =	sand.u32 $0x3FFFFFC0, s1;
	v63 =	vadd.f32 v20, v16;
	v11 =	vadd.f32 v27, v11;
	(pc) =	sbr.rel @p0 .LBB2_6-.Ltmp2, $4  }
0xcf: {  	[tilespmem:s1+$0x1A380] =	vst v17;
	v7 =	vadd.f32 v8, v7  }
0xd0: {  	v8 =	vadd.f32 v62, v63;
	[tilespmem:s1+$0x1A390] =	vst v11  }
0xd1: {  	[tilespmem:s1+$0x1A3A0] =	vst v7  }
0xd2: {  	s24 =	sadd.s32 $0x1, s24;
	[tilespmem:s1+$0x1A3B0] =	vst v8  }
0xd3: {  	s0 =	sadd.s32 $0x1, s0  }
0xd4: {  	p0 =	sne.s32 s0, $0x10  }
.Ltmp3:
0xd5: {  	_ = 	snop;
	(pc) =	sbr.rel @p0 .LBB2_3-.Ltmp3, $2  }
0xd6: {  	_ =	sdelay $0x2  }
0xd7: {  	s2 =	sadd.s32 $0x10, s2  }
0xd8: {  	s0 =	sshll.u32 s25, $0xF  }
0xd9: {  	s0 =	sadd.s32 s8, s0  }
0xda: {  	s0 =	sshrl.u32 s0, $0x3  }
0xdb: {  	s1 =	simm.s32 $0x1A380;
	p0 =	seq.s32 s25, $0x3;
	s0 =	sadd.s32 s7, s0  }
0xdc: {  	[hbm4b:s0+s3] =	stream.linear.scatter [tilespmem:s1], [sflag:$0x3], $0x4000, $0x38;
	[tilespmem:$0x1E9B0] =	vst v63  }
0xdd: {  	s0 =	sor.u32 @!p0 $0x100, s31  }
0xde: {  	s0 =	smin.u32 @!p0 s0, $0x4FF  }
0xdf: {  	s0 =	sshll.u32 @!p0 s0, $0x6  }
0xe0: {  	s2 =	smul.u32 $0x2100, s26;
	s0 =	sor.u32 @!p0 s8, s0  }
0xe1: {  	s0 =	sshrl.u32 @!p0 s0, $0x3  }
0xe2: {  	s14 =	sadd.s32 s10, s2;
	s1 =	simm.s32 @!p0 $0x0;
	s0 =	sadd.s32 @!p0 s18, s0  }
0xe3: {  	[tilespmem:s1], [sflag:$0x1] =	stream.linear.gather @!p0 [hbm4b:s0+s1], $0xC040, $0x38;
	[tilespmem:$0x1E9B0] =	vst v63  }
0xe4: {  	s0 =	sshrl.u32 s14, $0x3  }
0xe5: {  	s31 =	simm.s32 $0x0;
	s16 =	sadd.s32 s6, s0;
	s0 =	simm.s32 $0x18080  }
0xe6: {  	[tilespmem:s0], [sflag:$0x4] =	stream.linear.gather [hbm4b:s16+s31], $0x2100, $0x38;
	[tilespmem:$0x1E9B0] =	vst v63  }
0xe7: {  	s17 =	sor.u32 s11, s28;
	_ =	swait.ge [sflag:s15], $0x2100  }
0xe8: {  	s24 =	smov.u32 s18;
	s1 =	sshrl.u32 s17, $0x3;
	[sflag:s15] =	ssyncset.done $0x0  }
0xe9: {  	s9 =	simm.s32 $0x1A180;
	s18 =	sadd.s32 s4, s1;
	[sflag:s15] =	ssyncadd.s32 $0xFFFFDF00  }
0xea: {  	[tilespmem:s9], [sflag:$0x4] =	stream.linear.gather [hbm4b:s18+s31], $0x100, $0x38;
	[tilespmem:$0x1E9B0] =	vst v63  }
0xeb: {  	_ =	swait.ge [sflag:s15], $0x100  }
0xec: {  	[sflag:s15] =	ssyncset.done $0x0  }
0xed: {  	s21 =	simm.s32 $0x1A280;
	s1 =	sadd.s32 s5, s1;
	[sflag:s15] =	ssyncadd.s32 $0xFFFFFF00  }
0xee: {  	[tilespmem:s21], [sflag:$0x4] =	stream.linear.gather [hbm4b:s1+s31], $0x100, $0x38;
	[tilespmem:$0x1E9B0] =	vst v63  }
0xef: {  	_ =	swait.ge [sflag:s15], $0x100  }
0xf0: {  	[sflag:s15] =	ssyncset.done $0x0  }
0xf1: {  	[sflag:s15] =	ssyncadd.s32 $0xFFFFFF00  }
0xf2: {  	_ =	swait.ge [sflag:s22], $0xC040  }
0xf3: {  	[sflag:s22] =	ssyncset.done $0x0  }
0xf4: {  	[sflag:s22] =	ssyncadd.s32 $0xFFFF3FC0  }
0xf5: {  	s30 =	sshll.u32 s30, $0x6;
	_ =	swait.ge [sflag:s23], $0x4000  }
0xf6: {  	s1 =	ssub.s32 $0x23FC0, s30;
	[sflag:s23] =	ssyncset.done $0x0  }
0xf7: {  	v5 =	vmov s29;
	v6 =	vmov s1;
	[sflag:s23] =	ssyncadd.s32 $0xFFFFC000  }
.LBB2_11:
0xf8: {  	s2 =	sshll.u32 s31, $0x4  }
0xf9: {  	v8 =	vld [tilespmem:s2+$0x1A180];
	_ =	sdelay $0x1  }
0xfa: {  	s1 =	simm.s32 $0xFFFFFFF0;
	v9 =	vld [tilespmem:s2+$0x1A280]  }
0xfb: {  	s1 =	scvt.s32.f32 s1;
	_ =	sdelay $0x1  }
0xfc: {  	v7 =	vmul.f32 s1, v8;
	_ =	sdelay $0x1  }
0xfd: {  	s17 =	sor.u32 s28, s2;
	v10 =	vadd.f32 v7, v9  }
0xfe: {  	s18 =	simm.s32 $0xFFFFFFF1;
	v7 =	vor.u32 s17, v0  }
0xff: {  	s1 =	scvt.s32.f32 s18;
	v7 =	vcvt.s32.f32 v7;
	v10 =	vmax.f32 v10, $-2.560000000e+02  }
0x100: {  	v10 =	vmin.f32 v10, $2.560000000e+02  }
0x101: {  	s9 =	simm.s32 $0xFFFFFFF2;
	v11 =	vmul.f32 s1, v8;
	v10 =	vadd.f32 v7, v10  }
0x102: {  	s21 =	scvt.s32.f32 s9  }
0x103: {  	v11 =	vadd.f32 v11, v9;
	v12 =	vtrunc.f32 v10  }
0x104: {  	v13 =	vcvt.f32.s32 v12;
	vm0 =	vlt.f32 v10, v12;
	v12 =	vmul.f32 s21, v8  }
0x105: {  	s29 =	simm.s32 $0xFFFFFFF3;
	v11 =	vmax.f32 v11, $-2.560000000e+02;
	v14 =	vsel vm0, $0xFFFFFFFF, v1  }
0x106: {  	v16 =	vld [tilespmem:s0+$0x0];
	s1 =	scvt.s32.f32 s29;
	v11 =	vmin.f32 v11, $2.560000000e+02;
	v13 =	vadd.s32 v13, v14;
	v14 =	vadd.f32 v12, v9  }
0x107: {  	v12 =	vadd.f32 v7, v11;
	v15 =	vcvt.s32.f32 v13;
	vm14 =	vgt.s32 v13, $0x0  }
0x108: {  	v17 =	vmax.f32 v14, $-2.560000000e+02;
	v11 =	vnsel vm14, $0x0, v13;
	v13 =	vmul.f32 s1, v8  }
0x109: {  	v14 =	vtrunc.f32 v12;
	v10 =	vsub.f32 v10, v15;
	v11 =	vmin.u32 v11, $0x7FF  }
0x10a: {  	v15 =	vcvt.f32.s32 v14;
	vm15 =	vlt.f32 v12, v14;
	v13 =	vadd.f32 v13, v9  }
0x10b: {  	v14 =	vsel vm15, $0xFFFFFFFF, v1;
	v11 =	vsub.s32 v11, v5;
	v10 =	vmul.f32 v16, v10  }
0x10c: {  	s30 =	simm.s32 $0x1E380;
	s14 =	sadd.s32 $0x100, s0;
	s16 =	simm.s32 $0xFFFFFFF4;
	v17 =	vmin.f32 v17, $2.560000000e+02;
	v15 =	vadd.s32 v15, v14;
	v18 =	vshll.u32 v11, $0x6  }
0x10d: {  	s12 =	simm.s32 $0x1E7A0;
	s9 =	simm.s32 $0x1E7A0;
	s1 =	simm.s32 $0x1E390;
	v11 =	vld [tilespmem:s14+$0x0];
	v13 =	vmax.f32 v13, $-2.560000000e+02;
	[tilespmem:s30+$0x0] =	vst v18;
	v14 =	vsub.f32 v16, v10;
	v16 =	vcvt.s32.f32 v15  }
.LBB2_12:
0x10e: {  	s21 =	smov.u32 s16  }
0x10f: {  	s17 =	scvt.s32.f32 s16;
	v17 =	vadd.f32 v7, v17;
	vm0 =	vgt.s32 v15, $0x0;
	[tilespmem:s9+$0xFFFFFDF0] =	vst v14;
	s12 =	sadd.s32 $0x10, s12;
	s21 =	sadd.s32 $0x1, s16  }
0x110: {  	p0 =	sne.s32 s16, $0x10;
	v14 =	vsub.f32 v12, v16;
	v18 =	vnsel vm0, $0x0, v15;
	[tilespmem:s9+$0x0] =	vst v10;
	s9 =	smov.u32 s12  }
.Ltmp4:
0x111: {  	v15 =	vmul.f32 s17, v8;
	v10 =	vtrunc.f32 v17;
	v16 =	vmin.u32 v18, $0x7FF;
	v12 =	vmovc v17;
	(pc) =	sbr.rel @p0 .LBB2_12-.Ltmp4, $4  }
0x112: {  	v17 =	vcvt.f32.s32 v10;
	vm0 =	vlt.f32 v12, v10;
	v10 =	vmul.f32 v11, v14  }
0x113: {  	s14 =	sadd.s32 $0x100, s14;
	v16 =	vsub.s32 v16, v5;
	v18 =	vadd.f32 v15, v9;
	v14 =	vsel vm0, $0xFFFFFFFF, v1  }
0x114: {  	v19 =	vshll.u32 v16, $0x6;
	v15 =	vadd.s32 v17, v14;
	v14 =	vsub.f32 v11, v10;
	v11 =	vld [tilespmem:s14+$0x0]  }
0x115: {  	s16 =	smov.u32 s21;
	v17 =	vmin.f32 v13, $2.560000000e+02;
	v13 =	vmax.f32 v18, $-2.560000000e+02;
	v16 =	vcvt.s32.f32 v15;
	[tilespmem:s1+$0x0] =	vst v19;
	s1 =	sadd.s32 $0x10, s1  }
0x116: {  	v8 =	vadd.f32 v7, v17;
	v13 =	vmin.f32 v13, $2.560000000e+02  }
0x117: {  	vm12 =	vgt.s32 v15, $0x0;
	v7 =	vadd.f32 v7, v13  }
0x118: {  	v51 =	vnsel vm12, $0x0, v15;
	v12 =	vsub.f32 v12, v16;
	v9 =	vtrunc.f32 v8  }
0x119: {  	v13 =	vmin.u32 v51, $0x7FF;
	v50 =	vcvt.f32.s32 v9;
	vm0 =	vlt.f32 v8, v9  }
0x11a: {  	v54 =	vtrunc.f32 v7;
	v12 =	vmul.f32 v11, v12;
	v13 =	vsub.s32 v13, v5  }
0x11b: {  	s14 =	sadd.s32 $0x100, s14;
	v9 =	vsel vm0, $0xFFFFFFFF, v1;
	v55 =	vcvt.f32.s32 v54;
	vm13 =	vlt.f32 v7, v54  }
0x11c: {  	v53 =	vld [tilespmem:s14+$0x0];
	s14 =	sadd.s32 $0x100, s14;
	v13 =	vshll.u32 v13, $0x6;
	v9 =	vadd.s32 v50, v9;
	v17 =	vsel vm13, $0xFFFFFFFF, v1  }
0x11d: {  	[tilespmem:s9+$0xFFFFFDF0] =	vst v14;
	v57 =	vld [tilespmem:s14+$0x0];
	v52 =	vcvt.s32.f32 v9;
	vm14 =	vgt.s32 v9, $0x0;
	v56 =	vadd.s32 v55, v17  }
0x11e: {  	[tilespmem:s9+$0x0] =	vst v10;
	v58 =	vsub.f32 v11, v12;
	v9 =	vnsel vm14, $0x0, v9;
	v59 =	vcvt.s32.f32 v56  }
0x11f: {  	s29 =	sadd.s32 $0x10, s12;
	[tilespmem:s1+$0x0] =	vst v13;
	vm15 =	vgt.s32 v56, $0x0;
	v8 =	vsub.f32 v8, v52;
	v9 =	vmin.u32 v9, $0x7FF  }
0x120: {  	[tilespmem:s29+$0x0] =	vst v12;
	v61 =	vnsel vm15, $0x0, v56;
	v9 =	vsub.s32 v9, v5;
	v7 =	vsub.f32 v7, v59  }
0x121: {  	s30 =	sadd.s32 $0x10, s1;
	[tilespmem:s29+$0xFFFFFDF0] =	vst v58;
	v62 =	vmin.u32 v61, $0x7FF;
	v8 =	vmul.f32 v53, v8;
	v9 =	vshll.u32 v9, $0x6  }
0x122: {  	s9 =	sadd.s32 $0x10, s29;
	[tilespmem:s30+$0x0] =	vst v9;
	v7 =	vmul.f32 v57, v7;
	v9 =	vsub.s32 v62, v5  }
0x123: {  	s1 =	sadd.s32 $0x10, s30;
	v60 =	vsub.f32 v53, v8;
	[tilespmem:s9+$0x0] =	vst v8;
	v8 =	vshll.u32 v9, $0x6  }
0x124: {  	v63 =	vsub.f32 v57, v7;
	[tilespmem:s1+$0x0] =	vst v8  }
0x125: {  	[tilespmem:s9+$0xFFFFFDF0] =	vst v60;
	s9 =	sadd.s32 $0x10, s9  }
0x126: {  	[tilespmem:s9+$0xFFFFFDF0] =	vst v63  }
0x127: {  	s12 =	simm.s32 $0x20;
	[tilespmem:s9+$0x0] =	vst v7;
	s9 =	simm.s32 $0x0  }
.LBB2_14:
0x128: {  	v7 =	vmov s12  }
0x129: {  	s1 =	sadd.s32 $0xFFFFFFE0, s12  }
0x12a: {  	s29 =	sadd.s32 $0xFFFFFFF0, s12;
	v8 =	vmov s1  }
0x12b: {  	v9 =	vmov s29;
	_ =	sdelay $0x1  }
0x12c: {  	s30 =	sadd.s32 $0x30, s12;
	v11 =	vand.u32 $0x7FF, v7;
	v12 =	vld.idx.msk [tilespmem:v7+s19+$0x0], $0xffff  }
0x12d: {  	s16 =	sadd.s32 $0xFFFFFFF0, s30;
	v11 =	vadd.s32 $0x210, v11;
	v21 =	vld.idx.msk [tilespmem:v7+s20+$0x0], $0xffff  }
0x12e: {  	v10 =	vand.u32 $0x7FF, v9;
	v40 =	vmov s16;
	v13 =	vld.idx.msk [tilespmem:v8+s19+$0x0], $0xffff  }
0x12f: {  	v14 =	vand.u32 $0x3FF, v8;
	v10 =	vadd.s32 $0x210, v10;
	v16 =	vld.idx.msk [tilespmem:v9+s19+$0x0], $0xffff  }
0x130: {  	v14 =	vadd.s32 $0x210, v14;
	v8 =	vld.idx.msk [tilespmem:v8+s20+$0x0], $0xffff  }
0x131: {  	v20 =	vld.idx.msk [tilespmem:v9+s20+$0x0], $0xffff;
	v17 =	vadd.s32 v4, v12  }
0x132: {  	v15 =	vld.idx.msk [tilespmem:v11+s20+$0x0], $0xffff;
	v9 =	vadd.s32 v2, v12  }
0x133: {  	v45 =	vld.idx.msk [tilespmem:v40+s19+$0x0], $0xffff;
	v32 =	vadd.s32 v0, v12  }
0x134: {  	v10 =	vld.idx.msk [tilespmem:v10+s20+$0x0], $0xffff;
	v18 =	vadd.s32 v2, v13  }
0x135: {  	v14 =	vld.idx.msk [tilespmem:v14+s20+$0x0], $0xffff;
	v19 =	vadd.s32 v0, v13  }
0x136: {  	v22 =	vadd.s32 v4, v16;
	v17 =	vld.idx.msk [tilespmem:v17+s13+$0x0], $0xffff  }
0x137: {  	v25 =	vadd.s32 $0x40, v12;
	v11 =	vadd.s32 $0x40, v13;
	v28 =	vadd.s32 v0, v16;
	v9 =	vld.idx.msk [tilespmem:v9+s13+$0x0], $0xffff  }
0x138: {  	v7 =	vadd.s32 $0x40, v16;
	vm12 =	vlt.s32 v25, v6;
	v30 =	vadd.s32 v4, v13;
	v32 =	vld.idx.msk [tilespmem:v32+s13+$0x0], $0xffff  }
0x139: {  	v13 =	vadd.s32 v3, v13;
	vm0 =	vlt.s32 v11, v6;
	v25 =	vsel vm12, v25, v6;
	v18 =	vld.idx.msk [tilespmem:v18+s13+$0x0], $0xffff  }
0x13a: {  	vm11 =	vlt.s32 v7, v6;
	v11 =	vsel vm0, v11, v6;
	v31 =	vadd.s32 v0, v25;
	v19 =	vld.idx.msk [tilespmem:v19+s13+$0x0], $0xffff  }
0x13b: {  	v7 =	vsel vm11, v7, v6;
	v23 =	vadd.s32 v3, v11;
	v29 =	vld.idx.msk [tilespmem:v22+s13+$0x0], $0xffff  }
0x13c: {  	v24 =	vadd.s32 v0, v7;
	v28 =	vld.idx.msk [tilespmem:v28+s13+$0x0], $0xffff  }
0x13d: {  	v26 =	vadd.s32 v0, v11;
	v30 =	vld.idx.msk [tilespmem:v30+s13+$0x0], $0xffff  }
0x13e: {  	v27 =	vadd.s32 v4, v7;
	v13 =	vld.idx.msk [tilespmem:v13+s13+$0x0], $0xffff  }
0x13f: {  	v33 =	vadd.s32 v4, v11;
	v31 =	vld.idx.msk [tilespmem:v31+s13+$0x0], $0xffff  }
0x140: {  	v34 =	vadd.s32 v2, v7;
	v7 =	vadd.s32 v3, v7;
	v23 =	vld.idx.msk [tilespmem:v23+s13+$0x0], $0xffff  }
0x141: {  	v37 =	vadd.s32 v3, v16;
	v24 =	vld.idx.msk [tilespmem:v24+s13+$0x0], $0xffff  }
0x142: {  	v22 =	vadd.s32 v2, v25;
	v26 =	vld.idx.msk [tilespmem:v26+s13+$0x0], $0xffff  }
0x143: {  	v36 =	vadd.s32 v4, v25;
	v27 =	vld.idx.msk [tilespmem:v27+s13+$0x0], $0xffff  }
0x144: {  	v12 =	vadd.s32 v3, v12;
	v16 =	vadd.s32 v2, v16;
	v33 =	vld.idx.msk [tilespmem:v33+s13+$0x0], $0xffff  }
0x145: {  	v11 =	vadd.s32 v2, v11;
	v39 =	vld.idx.msk [tilespmem:v7+s13+$0x0], $0xffff;
	v7 =	vmul.f32 v9, v21;
	v38 =	vmul.f32 v18, v8  }
0x146: {  	v25 =	vadd.s32 v3, v25;
	v37 =	vld.idx.msk [tilespmem:v37+s13+$0x0], $0xffff;
	v18 =	vmul.f32 v19, v8;
	v29 =	vmul.f32 v29, v20  }
0x147: {  	s14 =	sadd.s32 $0xFFFFFFE0, s30;
	v35 =	vld.idx.msk [tilespmem:v22+s13+$0x0], $0xffff;
	v19 =	vmov s30;
	v30 =	vmul.f32 v30, v8;
	v31 =	vmul.f32 v31, v15  }
0x148: {  	v36 =	vld.idx.msk [tilespmem:v36+s13+$0x0], $0xffff;
	v9 =	vmul.f32 v26, v14;
	v26 =	vmov s14;
	v24 =	vmul.f32 v24, v10  }
0x149: {  	v34 =	vld.idx.msk [tilespmem:v34+s13+$0x0], $0xffff;
	v22 =	vimm.f32 $0.0e+00;
	v27 =	vmul.f32 v27, v10;
	v42 =	vmul.f32 v23, v14  }
0x14a: {  	v41 =	vld.idx.msk [tilespmem:v11+s13+$0x0], $0xffff;
	v23 =	vmul.f32 v28, v20;
	v33 =	vmul.f32 v33, v14;
	v9 =	vadd.f32 v9, v18  }
0x14b: {  	v28 =	vld.idx.msk [tilespmem:v12+s13+$0x0], $0xffff;
	v11 =	vand.u32 $0x3FF, v26;
	v18 =	vand.u32 $0x7FF, v40;
	v27 =	vadd.f32 v27, v29  }
0x14c: {  	v43 =	vld.idx.msk [tilespmem:v19+s19+$0x0], $0xffff;
	v18 =	vadd.s32 $0x210, v18;
	v12 =	vadd.f32 v9, v22;
	v9 =	vmul.f32 v35, v15  }
0x14d: {  	v29 =	vmul.f32 v17, v21;
	v17 =	vand.u32 $0x7FF, v19;
	v44 =	vadd.s32 $0x210, v11;
	v57 =	vld.idx.msk [tilespmem:v26+s19+$0x0], $0xffff  }
0x14e: {  	v23 =	vadd.f32 v24, v23;
	v17 =	vadd.s32 $0x210, v17;
	v11 =	vadd.f32 v9, v7;
	v7 =	vld.idx.msk [tilespmem:v26+s20+$0x0], $0xffff  }
0x14f: {  	v58 =	vadd.s32 v4, v45;
	v46 =	vmul.f32 v34, v10;
	v26 =	vmul.f32 v36, v15;
	v36 =	vld.idx.msk [tilespmem:v16+s13+$0x0], $0xffff  }
0x150: {  	v34 =	vmul.f32 v13, v8;
	v24 =	vmul.f32 v32, v21;
	v23 =	vadd.f32 v23, v12;
	v12 =	vld.idx.msk [tilespmem:v19+s20+$0x0], $0xffff  }
0x151: {  	v14 =	vmul.f32 v41, v14;
	v47 =	vmul.f32 v28, v21;
	v9 =	vld.idx.msk [tilespmem:v18+s20+$0x0], $0xffff  }
0x152: {  	v16 =	vadd.f32 v31, v24;
	v19 =	vadd.s32 v2, v43;
	v18 =	vadd.f32 v33, v30;
	v33 =	vld.idx.msk [tilespmem:v25+s13+$0x0], $0xffff  }
0x153: {  	v30 =	vmul.f32 v39, v10;
	v25 =	vadd.s32 v4, v43;
	v8 =	vld.idx.msk [tilespmem:v17+s20+$0x0], $0xffff;
	v17 =	vadd.s32 $0x40, v45  }
0x154: {  	v49 =	vld.idx.msk [tilespmem:v58+s13+$0x0], $0xffff;
	vm14 =	vlt.s32 v17, v6;
	v24 =	vadd.s32 v2, v57;
	v13 =	vadd.s32 $0x40, v57  }
0x155: {  	v10 =	vld.idx.msk [tilespmem:v40+s20+$0x0], $0xffff;
	v31 =	vadd.s32 v0, v57;
	v61 =	vsel vm14, v17, v6;
	vm13 =	vlt.s32 v13, v6  }
0x156: {  	v18 =	vadd.f32 v18, v22;
	v21 =	vadd.s32 v0, v61;
	v59 =	vsel vm13, v13, v6;
	v13 =	vld.idx.msk [tilespmem:v44+s20+$0x0], $0xffff  }
0x157: {  	v17 =	vadd.f32 v16, v23;
	v16 =	vadd.f32 v26, v29;
	v50 =	vadd.s32 v2, v61;
	v29 =	vld.idx.msk [tilespmem:v19+s13+$0x0], $0xffff  }
0x158: {  	v23 =	vadd.s32 $0x40, v43;
	v18 =	vadd.f32 v27, v18;
	v27 =	vadd.s32 v4, v61;
	v44 =	vld.idx.msk [tilespmem:v25+s13+$0x0], $0xffff  }
0x159: {  	v38 =	vadd.f32 v14, v38;
	vm15 =	vlt.s32 v23, v6;
	v25 =	vld.idx.msk [tilespmem:v24+s13+$0x0], $0xffff;
	v24 =	vadd.s32 v0, v59  }
0x15a: {  	v37 =	vmul.f32 v37, v20;
	v48 =	vsel vm15, v23, v6;
	v60 =	vadd.s32 v3, v59;
	v28 =	vld.idx.msk [tilespmem:v31+s13+$0x0], $0xffff  }
0x15b: {  	v38 =	vadd.f32 v38, v22;
	v54 =	vadd.s32 v0, v43;
	v62 =	vadd.s32 v2, v48;
	v51 =	vld.idx.msk [tilespmem:v21+s13+$0x0], $0xffff  }
0x15c: {  	v35 =	vadd.s32 v4, v57;
	v55 =	vadd.f32 v30, v37;
	v31 =	vadd.s32 v0, v45;
	v37 =	vld.idx.msk [tilespmem:v50+s13+$0x0], $0xffff  }
0x15d: {  	v26 =	vadd.s32 v3, v61;
	v20 =	vmul.f32 v36, v20;
	v63 =	vadd.s32 v0, v48;
	v53 =	vld.idx.msk [tilespmem:v27+s13+$0x0], $0xffff  }
0x15e: {  	v23 =	vadd.s32 v3, v57;
	v19 =	vadd.s32 v2, v59;
	v39 =	vadd.s32 v4, v59;
	v52 =	vld.idx.msk [tilespmem:v24+s13+$0x0], $0xffff  }
0x15f: {  	v15 =	vmul.f32 v33, v15;
	v41 =	vadd.f32 v46, v20;
	v16 =	vadd.f32 v16, v18;
	v40 =	vld.idx.msk [tilespmem:v60+s13+$0x0], $0xffff  }
0x160: {  	v18 =	vadd.s32 v3, v48;
	v48 =	vadd.s32 v4, v48;
	v59 =	vadd.f32 v42, v34;
	v32 =	vld.idx.msk [tilespmem:v62+s13+$0x0], $0xffff  }
0x161: {  	v21 =	vadd.s32 v2, v45;
	v27 =	vmul.f32 v29, v12;
	v60 =	vmul.f32 v49, v10;
	v57 =	vld.idx.msk [tilespmem:v31+s13+$0x0], $0xffff  }
0x162: {  	v30 =	vld.idx.msk [tilespmem:v63+s13+$0x0], $0xffff;
	v63 =	vadd.f32 v59, v22;
	v22 =	vmul.f32 v44, v12;
	v14 =	vmul.f32 v25, v7  }
0x163: {  	v29 =	vld.idx.msk [tilespmem:v54+s13+$0x0], $0xffff;
	v24 =	vadd.s32 v3, v45;
	v58 =	vmul.f32 v28, v7;
	v61 =	vmul.f32 v52, v13  }
0x164: {  	v25 =	vadd.s32 v3, v43;
	v31 =	vld.idx.msk [tilespmem:v35+s13+$0x0], $0xffff;
	v35 =	vadd.f32 v15, v47;
	v62 =	vmul.f32 v53, v9  }
0x165: {  	v36 =	vld.idx.msk [tilespmem:v39+s13+$0x0], $0xffff;
	v39 =	vadd.f32 v55, v63;
	v15 =	vmul.f32 v40, v13;
	v40 =	vadd.f32 v61, v58  }
0x166: {  	s1 =	sadd.s32 $0x30, s30;
	s14 =	simm.s32 $0x3;
	v33 =	vld.idx.msk [tilespmem:v48+s13+$0x0], $0xffff;
	v28 =	vmul.f32 v51, v9;
	v20 =	vadd.f32 v62, v60;
	v34 =	vmul.f32 v57, v10  }
.LBB2_15:
0x167: {  	s16 =	sadd.s32 $0xFFFFFFE0, s1;
	s17 =	sadd.s32 $0xFFFFFFF0, s1;
	v42 =	vmov s1;
	s14 =	sadd.s32 $0x3, s14;
	v17 =	vadd.f32 v40, v17;
	v26 =	vld.idx.msk [tilespmem:v26+s13+$0x0], $0xffff;
	v32 =	vmul.f32 v32, v8  }
0x168: {  	v38 =	vadd.f32 v41, v38;
	v40 =	vmov s16;
	v43 =	vmov s17;
	p0 =	slt.u32 s14, $0x1E;
	v23 =	vld.idx.msk [tilespmem:v23+s13+$0x0], $0xffff  }
0x169: {  	v31 =	vmul.f32 v31, v7;
	v41 =	vand.u32 $0x3FF, v40;
	v44 =	vand.u32 $0x7FF, v43;
	v24 =	vld.idx.msk [tilespmem:v24+s13+$0x0], $0xffff  }
0x16a: {  	v45 =	vand.u32 $0x7FF, v42;
	v39 =	vadd.f32 v35, v39;
	v41 =	vadd.s32 $0x210, v41;
	v19 =	vld.idx.msk [tilespmem:v19+s13+$0x0], $0xffff  }
0x16b: {  	v38 =	vadd.f32 v11, v38;
	v35 =	vadd.s32 $0x210, v44;
	v44 =	vadd.s32 $0x210, v45;
	v25 =	vld.idx.msk [tilespmem:v25+s13+$0x0], $0xffff  }
0x16c: {  	v30 =	vmul.f32 v30, v8;
	v36 =	vmul.f32 v36, v13;
	v11 =	vadd.f32 v32, v27;
	v45 =	vld.idx.msk [tilespmem:v42+s19+$0x0], $0xffff  }
0x16d: {  	v28 =	vadd.f32 v28, v34;
	v29 =	vmul.f32 v29, v12;
	v46 =	vmul.f32 v37, v9;
	v27 =	vld.idx.msk [tilespmem:v40+s19+$0x0], $0xffff  }
0x16e: {  	v31 =	vadd.f32 v36, v31;
	v34 =	vmul.f32 v26, v9;
	v26 =	vmul.f32 v33, v8;
	v32 =	vld.idx.msk [tilespmem:v43+s19+$0x0], $0xffff  }
0x16f: {  	v17 =	vadd.f32 v28, v17;
	v33 =	vmul.f32 v23, v7;
	v23 =	vadd.f32 v30, v29;
	v7 =	vld.idx.msk [tilespmem:v40+s20+$0x0], $0xffff  }
0x170: {  	v29 =	vmul.f32 v24, v10;
	v28 =	vmul.f32 v19, v13;
	v13 =	vadd.f32 v31, v16;
	v9 =	vld.idx.msk [tilespmem:v35+s20+$0x0], $0xffff  }
0x171: {  	v17 =	vadd.f32 v23, v17;
	v16 =	vadd.f32 v26, v22;
	v35 =	vmul.f32 v25, v12;
	v30 =	vld.idx.msk [tilespmem:v18+s13+$0x0], $0xffff  }
0x172: {  	v18 =	vadd.s32 $0x40, v45;
	v22 =	vadd.s32 v4, v45;
	v20 =	vadd.f32 v20, v13;
	v36 =	vld.idx.msk [tilespmem:v21+s13+$0x0], $0xffff  }
0x173: {  	v13 =	vadd.s32 $0x40, v27;
	v21 =	vadd.s32 v0, v27;
	v23 =	vadd.s32 v2, v27;
	v31 =	vld.idx.msk [tilespmem:v44+s20+$0x0], $0xffff  }
0x174: {  	vm0 =	vlt.s32 v13, v6;
	v24 =	vadd.s32 $0x40, v32;
	v25 =	vadd.s32 v4, v32;
	v12 =	vld.idx.msk [tilespmem:v42+s20+$0x0], $0xffff  }
0x175: {  	v40 =	vadd.s32 v2, v45;
	v26 =	vsel vm0, v13, v6;
	vm0 =	vlt.s32 v24, v6;
	v37 =	vld.idx.msk [tilespmem:v43+s20+$0x0], $0xffff  }
0x176: {  	v19 =	vadd.s32 v2, v26;
	v42 =	vadd.s32 v3, v26;
	v13 =	vld.idx.msk [tilespmem:v41+s20+$0x0], $0xffff;
	v41 =	vadd.s32 v0, v26  }
0x177: {  	v43 =	vadd.s32 v4, v26;
	v24 =	vsel vm0, v24, v6;
	vm0 =	vlt.s32 v18, v6;
	v22 =	vld.idx.msk [tilespmem:v22+s13+$0x0], $0xffff  }
0x178: {  	v47 =	vadd.s32 v0, v24;
	v48 =	vadd.s32 v2, v24;
	v49 =	vadd.s32 v4, v24;
	v44 =	vld.idx.msk [tilespmem:v23+s13+$0x0], $0xffff  }
0x179: {  	v51 =	vadd.s32 v0, v32;
	v16 =	vadd.f32 v16, v20;
	v50 =	vld.idx.msk [tilespmem:v21+s13+$0x0], $0xffff;
	v21 =	vsel vm0, v18, v6  }
0x17a: {  	v26 =	vadd.s32 v3, v24;
	v23 =	vadd.s32 v3, v27;
	v20 =	vadd.s32 v0, v21;
	v40 =	vld.idx.msk [tilespmem:v40+s13+$0x0], $0xffff  }
0x17b: {  	v52 =	vadd.s32 v4, v27;
	v54 =	vadd.s32 v2, v21;
	v18 =	vadd.s32 v3, v21;
	v53 =	vld.idx.msk [tilespmem:v25+s13+$0x0], $0xffff  }
0x17c: {  	v56 =	vadd.f32 v28, v14;
	v24 =	vadd.s32 v3, v32;
	v55 =	vadd.s32 v4, v21;
	v42 =	vld.idx.msk [tilespmem:v42+s13+$0x0], $0xffff  }
0x17d: {  	v21 =	vadd.s32 v2, v32;
	v25 =	vadd.s32 v3, v45;
	v28 =	vld.idx.msk [tilespmem:v47+s13+$0x0], $0xffff  }
0x17e: {  	v14 =	vmul.f32 v44, v7;
	v41 =	vld.idx.msk [tilespmem:v41+s13+$0x0], $0xffff  }
0x17f: {  	v45 =	vadd.s32 v0, v45;
	v44 =	vmul.f32 v50, v7;
	v47 =	vld.idx.msk [tilespmem:v49+s13+$0x0], $0xffff  }
0x180: {  	v27 =	vmul.f32 v40, v12;
	v49 =	vld.idx.msk [tilespmem:v51+s13+$0x0], $0xffff  }
0x181: {  	v50 =	vadd.f32 v34, v29;
	v29 =	vmul.f32 v30, v8;
	v8 =	vmov v31;
	v32 =	vld.idx.msk [tilespmem:v54+s13+$0x0], $0xffff  }
0x182: {  	v33 =	vadd.f32 v15, v33;
	v51 =	vmul.f32 v36, v10;
	v10 =	vmov v37;
	v31 =	vld.idx.msk [tilespmem:v52+s13+$0x0], $0xffff  }
.Ltmp5:
0x183: {  	v35 =	vadd.f32 v29, v35;
	v28 =	vmul.f32 v28, v9;
	v52 =	vmul.f32 v53, v10;
	v30 =	vld.idx.msk [tilespmem:v20+s13+$0x0], $0xffff;
	(pc) =	sbr.rel @p0 .LBB2_15-.Ltmp5, $4  }
0x184: {  	v15 =	vmul.f32 v42, v13;
	v20 =	vmul.f32 v41, v13;
	v29 =	vld.idx.msk [tilespmem:v45+s13+$0x0], $0xffff  }
0x185: {  	v39 =	vadd.f32 v33, v39;
	v38 =	vadd.f32 v56, v38;
	v42 =	vmul.f32 v47, v9;
	v36 =	vld.idx.msk [tilespmem:v43+s13+$0x0], $0xffff  }
0x186: {  	v41 =	vadd.f32 v46, v51;
	v40 =	vadd.f32 v20, v44;
	v34 =	vmul.f32 v49, v10;
	v37 =	vld.idx.msk [tilespmem:v48+s13+$0x0], $0xffff  }
0x187: {  	s1 =	sadd.s32 $0x30, s1;
	v22 =	vmul.f32 v22, v12;
	v39 =	vadd.f32 v50, v39;
	v20 =	vadd.f32 v42, v52;
	v33 =	vld.idx.msk [tilespmem:v55+s13+$0x0], $0xffff  }
0x188: {  	_ =	sdelay $0x3  }
0x189: {  	v26 =	vld.idx.msk [tilespmem:v26+s13+$0x0], $0xffff  }
0x18a: {  	v38 =	vadd.f32 v41, v38;
	v19 =	vld.idx.msk [tilespmem:v19+s13+$0x0], $0xffff  }
0x18b: {  	v17 =	vadd.f32 v40, v17;
	v32 =	vmul.f32 v32, v8;
	v23 =	vld.idx.msk [tilespmem:v23+s13+$0x0], $0xffff;
	v31 =	vmul.f32 v31, v7  }
0x18c: {  	v21 =	vld.idx.msk [tilespmem:v21+s13+$0x0], $0xffff;
	v30 =	vmul.f32 v30, v8;
	v28 =	vadd.f32 v28, v34;
	v35 =	vadd.f32 v35, v39  }
0x18d: {  	v24 =	vld.idx.msk [tilespmem:v24+s13+$0x0], $0xffff;
	v29 =	vmul.f32 v29, v12;
	v11 =	vadd.f32 v11, v38;
	v36 =	vmul.f32 v36, v13  }
0x18e: {  	v25 =	vld.idx.msk [tilespmem:v25+s13+$0x0], $0xffff;
	v27 =	vadd.f32 v32, v27;
	v17 =	vadd.f32 v28, v17;
	v52 =	vmul.f32 v37, v9  }
0x18f: {  	v18 =	vld.idx.msk [tilespmem:v18+s13+$0x0], $0xffff;
	v57 =	vadd.f32 v30, v29;
	v55 =	vmul.f32 v33, v8;
	v56 =	vmul.f32 v19, v13  }
0x190: {  	v54 =	vadd.f32 v36, v31;
	v53 =	vmul.f32 v26, v9;
	v7 =	vmul.f32 v23, v7  }
0x191: {  	v58 =	vmul.f32 v21, v10;
	v17 =	vadd.f32 v57, v17;
	v13 =	vadd.f32 v56, v14  }
0x192: {  	v59 =	vmul.f32 v24, v10;
	v16 =	vadd.f32 v54, v16;
	v7 =	vadd.f32 v15, v7  }
0x193: {  	v60 =	vmul.f32 v25, v12;
	v61 =	vadd.f32 v52, v58;
	v11 =	vadd.f32 v13, v11  }
0x194: {  	v8 =	vmul.f32 v18, v8;
	v9 =	vadd.f32 v53, v59;
	v7 =	vadd.f32 v7, v35  }
0x195: {  	s1 =	sadd.s32 s2, s9;
	s9 =	sadd.s32 $0x1, s9;
	v62 =	vadd.f32 v55, v22;
	v11 =	vadd.f32 v61, v11  }
0x196: {  	s1 =	sshll.u32 s1, $0x6;
	p0 =	sne.s32 s9, $0x10;
	v8 =	vadd.f32 v8, v60;
	v7 =	vadd.f32 v9, v7  }
.Ltmp6:
0x197: {  	s1 =	sand.u32 $0x3FFFFFC0, s1;
	v63 =	vadd.f32 v20, v16;
	v11 =	vadd.f32 v27, v11;
	(pc) =	sbr.rel @p0 .LBB2_14-.Ltmp6, $4  }
0x198: {  	[tilespmem:s1+$0x1A380] =	vst v17;
	v7 =	vadd.f32 v8, v7  }
0x199: {  	v8 =	vadd.f32 v62, v63;
	[tilespmem:s1+$0x1A390] =	vst v11  }
0x19a: {  	[tilespmem:s1+$0x1A3A0] =	vst v7  }
0x19b: {  	s12 =	sadd.s32 $0x1, s12;
	[tilespmem:s1+$0x1A3B0] =	vst v8  }
0x19c: {  	s31 =	sadd.s32 $0x1, s31  }
0x19d: {  	p0 =	sne.s32 s31, $0x10  }
.Ltmp7:
0x19e: {  	_ = 	snop;
	(pc) =	sbr.rel @p0 .LBB2_11-.Ltmp7, $2  }
0x19f: {  	_ =	sdelay $0x2  }
0x1a0: {  	s0 =	sadd.s32 $0x10, s0  }
0x1a1: {  	s25 =	sadd.s32 $0x1, s25  }
0x1a2: {  	p0 =	sne.s32 s25, $0x4  }
.Ltmp8:
0x1a3: {  	s0 =	sshll.u32 s26, $0xE;
	(pc) =	sbr.rel @p0 .LBB2_2-.Ltmp8, $4  }
0x1a4: {  	s0 =	sadd.s32 s8, s0  }
0x1a5: {  	s0 =	sshrl.u32 s0, $0x3  }
0x1a6: {  	s1 =	simm.s32 $0x1A380;
	s0 =	sadd.s32 s7, s0  }
0x1a7: {  	[hbm4b:s0+s3] =	stream.linear.scatter [tilespmem:s1], [sflag:$0x3], $0x4000, $0x38;
	[tilespmem:$0x1E9B0] =	vst v63  }
0x1a8: {  	_ =	swait.ge [sflag:s23], $0x4000  }
0x1a9: {  	s1 =	rddreg [dreg:$0x5]  }
0x1aa: {  	s0 =	rddreg [dreg:$0x4];
	s1 =	sadd.s32 $0x1, s1  }
0x1ab: {  	p0 =	sne.s32 s1, s0  }
.Ltmp9:
0x1ac: {  	_ = 	snop;
	(pc) =	sbr.rel @p0 .LBB2_1-.Ltmp9, $3  }
0x1ad: {  	_ =	sdelay $0x1  }
0x1ae: {  	[sflag:s23] =	ssyncset.done $0x0  }
0x1af: {  	[sflag:s23] =	ssyncadd.s32 $0xFFFFC000  }
0x1b0: {  	_ =	sfence.sel $0x180000  }
0x1b1: {  	[bflag:$0x0] =	sbarrier.arrive $0xFFFF  }
0x1b2: {  	_ =	strace $0x90000047  }
0x1b3: {  	s0 =	stileid.u32;
	[bflag:$0x2] =	sbarrier.arrive $0xFFFF  }
0x1b4: {  	p0 =	sne.s32 s0, $0x0;
	s0 =	rddreg [dreg:$0x2]  }
0x1b5: {  	s0 =	sadd.s32 @!p0 $0x100000, s0  }
0x1b6: {  	[sflag:s0] =	ssyncadd.tile.s32 @!p0 $0x1;
	_ =	shalt  }
.Lfunc_end2:
_tile_overlayer_lowered:
.L_overlay_start_2:
0x1b7: {  	(tag) =	ssettag $0x2  }
0x1b8: {  	s0 =	rddreg [dreg:$0x0];
	s2 =	stileid.u32  }
0x1b9: {  	s1 =	rddreg [dreg:$0x1];
	p0 =	sne.s32 s2, $0x0  }
0x1ba: {  	s3 =	rddreg [dreg:$0x2];
	[bflag:$0x3] =	sbarrier.arrive $0xFFFF;
	s2 =	simm.s32 @!p0 $0x1C04  }
0x1bb: {  	[timem:s3], [sflag:s2] =	dma.local @!p0 [hbm:s0], s1  }
0x1bc: {  	s0 =	simm.s32 @!p0 $0x4  }
0x1bd: {  	_ =	swait.ge @!p0 [sflag:s0], s1  }
0x1be: {  	s1 =	ssub.s32 @!p0 $0x0, s1;
	[sflag:s0] =	ssyncset.done @!p0 $0x0  }
0x1bf: {  	[sflag:s0] =	ssyncadd.s32 @!p0 s1  }
0x1c0: {  	[bflag:$0x3] =	sbarrier.arrive $0xFFFF  }
0x1c1: {  	_ =	shalt  }

</sc_bundles>
